<compile_context>
chip_gen: v7x
topology: tpu7x:2x2x1
jax: 0.10.2.dev20260603
libtpu: 0.0.44.dev20260713+nightly
codegen_flags: <defaults>
</compile_context>

<pallas_src>
import functools

import jax
import jax.numpy as jnp
from jax import lax
from jax.experimental import pallas as pl
from jax.experimental.pallas import tpu as pltpu
from jax.experimental.pallas import tpu_sc as plsc

D_MSA = 128
VOCAB = 22
NUM_CORES = 2
NUM_SUBCORES = 16
NW = NUM_CORES * NUM_SUBCORES
CHUNK = 128
NBUF = 4


@functools.partial(jax.jit, static_argnames=("total",))
def _sc_gather(idx1d, table, *, total):
    per_w = total // NW
    steps = per_w // CHUNK
    full_trips = (steps - NBUF) // NBUF
    tail = steps - NBUF * full_trips
    assert full_trips >= 2 and NBUF <= tail < 2 * NBUF
    mesh = plsc.VectorSubcoreMesh(core_axis_name="c", subcore_axis_name="s")

    @functools.partial(
        pl.kernel,
        mesh=mesh,
        out_type=jax.ShapeDtypeStruct((total, D_MSA), jnp.float32),
        scratch_types=[
            pltpu.VMEM((per_w,), jnp.int32),
            pltpu.VMEM_SHARED((VOCAB, D_MSA), jnp.float32),
            pltpu.VMEM((NBUF, CHUNK, D_MSA), jnp.float32),
            pltpu.SemaphoreType.DMA,
        ]
        + [pltpu.SemaphoreType.DMA] * NBUF,
    )
    def k(idx_hbm, table_hbm, out_hbm, idx_v, table_v, rows_v, gsem, *ssem):
        wid = lax.axis_index("s") * NUM_CORES + lax.axis_index("c")
        t_base = wid * per_w

        @pl.when(lax.axis_index("s") == 0)
        def _stage_table():
            pltpu.sync_copy(table_hbm, table_v)

        pltpu.sync_copy(idx_hbm.at[pl.ds(t_base, per_w)], idx_v)
        plsc.subcore_barrier()

        def issue_gather(step, buf):
            pltpu.async_copy(
                table_v.at[idx_v.at[pl.ds(step * CHUNK, CHUNK)]],
                rows_v.at[buf],
                gsem,
            )

        def wait_gather(buf):
            pltpu.make_async_copy(
                table_v.at[idx_v.at[pl.ds(0, CHUNK)]], rows_v.at[buf], gsem
            ).wait()

        def issue_scatter(step, buf):
            pltpu.async_copy(
                rows_v.at[buf],
                out_hbm.at[pl.ds(t_base + step * CHUNK, CHUNK)],
                ssem[buf],
            )

        def wait_scatter(buf):
            pltpu.make_async_copy(
                rows_v.at[buf], out_hbm.at[pl.ds(0, CHUNK)], ssem[buf]
            ).wait()

        def chunk_ops(s, b, first):
            wait_gather(b)
            issue_scatter(s, b)
            if not first:
                wait_scatter((b - 1) % NBUF)

        def trip(t, first):
            for b in range(NBUF):
                s = NBUF * t + b
                chunk_ops(s, b, first and b == 0)
                issue_gather(s + NBUF - 1, (b - 1) % NBUF)
            return t

        for b in range(NBUF - 1):
            issue_gather(b, b)
        trip(0, True)
        lax.fori_loop(1, full_trips, lambda t, c: trip(t, False), 0)
        for s in range(NBUF * full_trips, steps):
            chunk_ops(s, s % NBUF, False)
            if s + NBUF - 1 < steps:
                issue_gather(s + NBUF - 1, (s - 1) % NBUF)
        wait_scatter((steps - 1) % NBUF)

    return k(idx1d, table)


def kernel(msa_idx, embed):
    if msa_idx.ndim == 2:
        msa_idx = msa_idx[None]
    b, n, l = msa_idx.shape
    total = b * n * l
    idx1d = msa_idx.reshape(total)
    out = _sc_gather(idx1d, embed, total=total)
    return out.reshape(b, n, l, D_MSA)

# --- scband reference (transcript-rebuilt; emitter-appended) ---
"""Pipeline reference for scband-tiny-msaencoder-25769803905 (READ-ONLY COPY).

The authoritative reference and input builder live on the scoring server;
editing this copy changes nothing except your own understanding.
"""

import jax, jax.numpy as jnp
import numpy as np

D_MSA = 128
VOCAB = 22
PAD_IDX = 21


def setup_inputs(seed: int = 0) -> dict:
    key = jax.random.key(seed)
    k1, k2 = jax.random.split(key)
    msa_idx = jax.random.randint(k1, (1, 256, 1024), 0, VOCAB, dtype=jnp.int32)
    embed = jax.random.normal(k2, (VOCAB, D_MSA), dtype=jnp.float32) * 0.02
    # nn.Embedding with padding_idx zero-initializes (and keeps) the pad row
    embed = embed.at[PAD_IDX].set(0.0)
    return {"msa_idx": msa_idx, "embed": embed}


def reference(msa_idx, embed):
    if msa_idx.ndim == 2:
        msa_idx = msa_idx[None]
    # padding_idx row is structurally zero
    pad_mask = (jnp.arange(VOCAB) != PAD_IDX).astype(embed.dtype)[:, None]
    table = embed * pad_mask
    emb = jnp.take(table, msa_idx, axis=0)  # (B, N, L, d_msa)
    return emb

if __name__ == "__main__":
    import jax
    _d = setup_inputs()
    print(jax.jit(kernel)(*tuple(_d.values())))

</pallas_src>

<mosaic_0001>
#map = affine_map<(d0, d1) -> (0)>
#map1 = affine_map<(d0, d1) -> (0, 0)>
module attributes {stable_mosaic.version = 14 : i64} {
  func.func @k(%arg0: i32, %arg1: i32, %arg2: memref<262144xi32, #tpu.memory_space<hbm>>, %arg3: memref<22x128xf32, #tpu.memory_space<hbm>>, %arg4: memref<262144x128xf32, #tpu.memory_space<hbm>>, %arg5: memref<8192xi32, #tpu.memory_space<vmem>>, %arg6: memref<22x128xf32, #tpu.memory_space<vmem_shared>>, %arg7: memref<4x128x128xf32, #tpu.memory_space<vmem>>, %arg8: memref<!tpu.dma_semaphore, #tpu.memory_space<semaphore_mem>>, %arg9: memref<!tpu.dma_semaphore, #tpu.memory_space<semaphore_mem>>, %arg10: memref<!tpu.dma_semaphore, #tpu.memory_space<semaphore_mem>>, %arg11: memref<!tpu.dma_semaphore, #tpu.memory_space<semaphore_mem>>, %arg12: memref<!tpu.dma_semaphore, #tpu.memory_space<semaphore_mem>>) attributes {dimension_semantics = [#tpu.dimension_semantics<core_parallel>, #tpu.dimension_semantics<subcore_parallel>], iteration_bounds = array<i64: 2, 16>, scalar_prefetch = 0 : i64, scratch_operands = 8 : i64, tpu.core_type = #tpu.core_type<sc_vector_subcore>, window_params = [{transform_indices = #map}, {transform_indices = #map1}, {transform_indices = #map1}]} {
    %mul3A = arith.constant 2 : i32
    %mul3A_0 = arith.muli %arg1, %mul3A : i32
    %add3A = arith.addi %mul3A_0, %arg0 : i32
    %mul3A_1 = arith.constant 8192 : i32
    %mul3A_2 = arith.muli %add3A, %mul3A_1 : i32
    %eq3A = arith.constant 0 : i32
    %eq3A_3 = arith.cmpi eq, %arg1, %eq3A : i32
    %convert_element_type3A = arith.extui %eq3A_3 : i1 to i32
    %cond3A = arith.constant 0 : i32
    %cond3A_4 = arith.cmpi ne, %convert_element_type3A, %cond3A : i32
    scf.if %cond3A_4 {
      "tpu.region"() ({
        %run_scoped3A = tpu.sem_alloc : memref<!tpu.dma_semaphore, #tpu.memory_space<semaphore_mem>>
        tpu.enqueue_dma source(%arg3 : memref<22x128xf32, #tpu.memory_space<hbm>>) target(%arg6 : memref<22x128xf32, #tpu.memory_space<vmem_shared>>) target_semaphore(%run_scoped3A : memref<!tpu.dma_semaphore, #tpu.memory_space<semaphore_mem>>)
        tpu.wait_dma2 semaphore(%run_scoped3A : memref<!tpu.dma_semaphore, #tpu.memory_space<semaphore_mem>>) src(%arg3 : memref<22x128xf32, #tpu.memory_space<hbm>>) dst(%arg6 : memref<22x128xf32, #tpu.memory_space<vmem_shared>>)
        tpu.yield
      }) : () -> ()
    } else {
    }
    "tpu.region"() ({
      %run_scoped3A = tpu.sem_alloc : memref<!tpu.dma_semaphore, #tpu.memory_space<semaphore_mem>>
      %dma_start3A_409 = tpu.memref_slice %arg2[%mul3A_2] : memref<262144xi32, #tpu.memory_space<hbm>> -> memref<8192xi32, #tpu.memory_space<hbm>>
      %dma_start3A_410 = tpu.memref_slice %arg2[%mul3A_2] : memref<262144xi32, #tpu.memory_space<hbm>> -> memref<8192xi32, #tpu.memory_space<hbm>>
      tpu.enqueue_dma source(%dma_start3A_410 : memref<8192xi32, #tpu.memory_space<hbm>>) target(%arg5 : memref<8192xi32, #tpu.memory_space<vmem>>) target_semaphore(%run_scoped3A : memref<!tpu.dma_semaphore, #tpu.memory_space<semaphore_mem>>)
      %dma_wait3A_411 = tpu.memref_slice %arg2[%mul3A_2] : memref<262144xi32, #tpu.memory_space<hbm>> -> memref<8192xi32, #tpu.memory_space<hbm>>
      %dma_wait3A_412 = tpu.memref_slice %arg2[%mul3A_2] : memref<262144xi32, #tpu.memory_space<hbm>> -> memref<8192xi32, #tpu.memory_space<hbm>>
      tpu.wait_dma2 semaphore(%run_scoped3A : memref<!tpu.dma_semaphore, #tpu.memory_space<semaphore_mem>>) src(%dma_wait3A_412 : memref<8192xi32, #tpu.memory_space<hbm>>) dst(%arg5 : memref<8192xi32, #tpu.memory_space<vmem>>)
      tpu.yield
    }) : () -> ()
    %barrier3A = arith.constant 0 : index
    tpu.barrier barrier_id(%barrier3A)
    %dma_start3A = arith.constant 0 : i32
    %dma_start3A_5 = arith.constant 0 : i32
    %dma_start3A_6 = arith.constant 0 : i32
    %dma_start3A_7 = tpu.memref_slice %arg7[%dma_start3A, %dma_start3A_5, %dma_start3A_6] : memref<4x128x128xf32, #tpu.memory_space<vmem>> -> memref<1x128x128xf32, #tpu.memory_space<vmem>>
    %dma_start3A_8 = tpu.memref_squeeze %dma_start3A_7 : memref<1x128x128xf32, #tpu.memory_space<vmem>> -> memref<128x128xf32, #tpu.memory_space<vmem>>
    %dma_start3A_9 = arith.constant 0 : i32
    %dma_start3A_10 = tpu.memref_slice %arg5[%dma_start3A_9] : memref<8192xi32, #tpu.memory_space<vmem>> -> memref<128xi32, #tpu.memory_space<vmem>>
    %dma_start3A_11 = arith.constant 0 : i32
    %dma_start3A_12 = arith.constant 0 : i32
    %dma_start3A_13 = tpu.memref_slice %arg6[%dma_start3A_11, %dma_start3A_12] : memref<22x128xf32, #tpu.memory_space<vmem_shared>> -> memref<22x128xf32, #tpu.memory_space<vmem_shared>>
    tpu.enqueue_indirect_dma source(%dma_start3A_13 : memref<22x128xf32, #tpu.memory_space<vmem_shared>>) target(%dma_start3A_8 : memref<128x128xf32, #tpu.memory_space<vmem>>) offsets(%dma_start3A_10 : memref<128xi32, #tpu.memory_space<vmem>>) semaphore(%arg8 : memref<!tpu.dma_semaphore, #tpu.memory_space<semaphore_mem>>)
    %dma_start3A_14 = arith.constant 1 : i32
    %dma_start3A_15 = arith.constant 0 : i32
    %dma_start3A_16 = arith.constant 0 : i32
    %dma_start3A_17 = tpu.memref_slice %arg7[%dma_start3A_14, %dma_start3A_15, %dma_start3A_16] : memref<4x128x128xf32, #tpu.memory_space<vmem>> -> memref<1x128x128xf32, #tpu.memory_space<vmem>>
    %dma_start3A_18 = tpu.memref_squeeze %dma_start3A_17 : memref<1x128x128xf32, #tpu.memory_space<vmem>> -> memref<128x128xf32, #tpu.memory_space<vmem>>
    %dma_start3A_19 = arith.constant 128 : i32
    %dma_start3A_20 = tpu.memref_slice %arg5[%dma_start3A_19] : memref<8192xi32, #tpu.memory_space<vmem>> -> memref<128xi32, #tpu.memory_space<vmem>>
    %dma_start3A_21 = arith.constant 0 : i32
    %dma_start3A_22 = arith.constant 0 : i32
    %dma_start3A_23 = tpu.memref_slice %arg6[%dma_start3A_21, %dma_start3A_22] : memref<22x128xf32, #tpu.memory_space<vmem_shared>> -> memref<22x128xf32, #tpu.memory_space<vmem_shared>>
    tpu.enqueue_indirect_dma source(%dma_start3A_23 : memref<22x128xf32, #tpu.memory_space<vmem_shared>>) target(%dma_start3A_18 : memref<128x128xf32, #tpu.memory_space<vmem>>) offsets(%dma_start3A_20 : memref<128xi32, #tpu.memory_space<vmem>>) semaphore(%arg8 : memref<!tpu.dma_semaphore, #tpu.memory_space<semaphore_mem>>)
    %dma_start3A_24 = arith.constant 2 : i32
    %dma_start3A_25 = arith.constant 0 : i32
    %dma_start3A_26 = arith.constant 0 : i32
    %dma_start3A_27 = tpu.memref_slice %arg7[%dma_start3A_24, %dma_start3A_25, %dma_start3A_26] : memref<4x128x128xf32, #tpu.memory_space<vmem>> -> memref<1x128x128xf32, #tpu.memory_space<vmem>>
    %dma_start3A_28 = tpu.memref_squeeze %dma_start3A_27 : memref<1x128x128xf32, #tpu.memory_space<vmem>> -> memref<128x128xf32, #tpu.memory_space<vmem>>
    %dma_start3A_29 = arith.constant 256 : i32
    %dma_start3A_30 = tpu.memref_slice %arg5[%dma_start3A_29] : memref<8192xi32, #tpu.memory_space<vmem>> -> memref<128xi32, #tpu.memory_space<vmem>>
    %dma_start3A_31 = arith.constant 0 : i32
    %dma_start3A_32 = arith.constant 0 : i32
    %dma_start3A_33 = tpu.memref_slice %arg6[%dma_start3A_31, %dma_start3A_32] : memref<22x128xf32, #tpu.memory_space<vmem_shared>> -> memref<22x128xf32, #tpu.memory_space<vmem_shared>>
    tpu.enqueue_indirect_dma source(%dma_start3A_33 : memref<22x128xf32, #tpu.memory_space<vmem_shared>>) target(%dma_start3A_28 : memref<128x128xf32, #tpu.memory_space<vmem>>) offsets(%dma_start3A_30 : memref<128xi32, #tpu.memory_space<vmem>>) semaphore(%arg8 : memref<!tpu.dma_semaphore, #tpu.memory_space<semaphore_mem>>)
    %dma_wait3A = arith.constant 0 : i32
    %dma_wait3A_34 = arith.constant 0 : i32
    %dma_wait3A_35 = arith.constant 0 : i32
    %dma_wait3A_36 = tpu.memref_slice %arg7[%dma_wait3A, %dma_wait3A_34, %dma_wait3A_35] : memref<4x128x128xf32, #tpu.memory_space<vmem>> -> memref<1x128x128xf32, #tpu.memory_space<vmem>>
    %dma_wait3A_37 = tpu.memref_squeeze %dma_wait3A_36 : memref<1x128x128xf32, #tpu.memory_space<vmem>> -> memref<128x128xf32, #tpu.memory_space<vmem>>
    %dma_wait3A_38 = arith.constant 0 : i32
    %dma_wait3A_39 = tpu.memref_slice %arg5[%dma_wait3A_38] : memref<8192xi32, #tpu.memory_space<vmem>> -> memref<128xi32, #tpu.memory_space<vmem>>
    %dma_wait3A_40 = arith.constant 0 : i32
    %dma_wait3A_41 = arith.constant 0 : i32
    %dma_wait3A_42 = tpu.memref_slice %arg6[%dma_wait3A_40, %dma_wait3A_41] : memref<22x128xf32, #tpu.memory_space<vmem_shared>> -> memref<22x128xf32, #tpu.memory_space<vmem_shared>>
    tpu.wait_indirect_dma semaphore(%arg8 : memref<!tpu.dma_semaphore, #tpu.memory_space<semaphore_mem>>) src(%dma_wait3A_42 : memref<22x128xf32, #tpu.memory_space<vmem_shared>>) dst(%dma_wait3A_37 : memref<128x128xf32, #tpu.memory_space<vmem>>)
    %add3A_43 = arith.constant 0 : i32
    %add3A_44 = arith.addi %mul3A_2, %add3A_43 : i32
    %dma_start3A_45 = arith.constant 0 : i32
    %dma_start3A_46 = arith.constant 0 : i32
    %dma_start3A_47 = arith.constant 0 : i32
    %dma_start3A_48 = tpu.memref_slice %arg7[%dma_start3A_45, %dma_start3A_46, %dma_start3A_47] : memref<4x128x128xf32, #tpu.memory_space<vmem>> -> memref<1x128x128xf32, #tpu.memory_space<vmem>>
    %dma_start3A_49 = tpu.memref_squeeze %dma_start3A_48 : memref<1x128x128xf32, #tpu.memory_space<vmem>> -> memref<128x128xf32, #tpu.memory_space<vmem>>
    %dma_start3A_50 = arith.constant 0 : i32
    %dma_start3A_51 = tpu.memref_slice %arg4[%add3A_44, %dma_start3A_50] : memref<262144x128xf32, #tpu.memory_space<hbm>> -> memref<128x128xf32, #tpu.memory_space<hbm>>
    %dma_start3A_52 = arith.constant 0 : i32
    %dma_start3A_53 = tpu.memref_slice %arg4[%add3A_44, %dma_start3A_52] : memref<262144x128xf32, #tpu.memory_space<hbm>> -> memref<128x128xf32, #tpu.memory_space<hbm>>
    %dma_start3A_54 = arith.constant 0 : i32
    %dma_start3A_55 = arith.constant 0 : i32
    %dma_start3A_56 = tpu.memref_slice %arg7[%dma_start3A_45, %dma_start3A_54, %dma_start3A_55] : memref<4x128x128xf32, #tpu.memory_space<vmem>> -> memref<1x128x128xf32, #tpu.memory_space<vmem>>
    %dma_start3A_57 = tpu.memref_squeeze %dma_start3A_56 : memref<1x128x128xf32, #tpu.memory_space<vmem>> -> memref<128x128xf32, #tpu.memory_space<vmem>>
    tpu.enqueue_dma source(%dma_start3A_57 : memref<128x128xf32, #tpu.memory_space<vmem>>) target(%dma_start3A_53 : memref<128x128xf32, #tpu.memory_space<hbm>>) target_semaphore(%arg9 : memref<!tpu.dma_semaphore, #tpu.memory_space<semaphore_mem>>)
    %dma_start3A_58 = arith.constant 3 : i32
    %dma_start3A_59 = arith.constant 0 : i32
    %dma_start3A_60 = arith.constant 0 : i32
    %dma_start3A_61 = tpu.memref_slice %arg7[%dma_start3A_58, %dma_start3A_59, %dma_start3A_60] : memref<4x128x128xf32, #tpu.memory_space<vmem>> -> memref<1x128x128xf32, #tpu.memory_space<vmem>>
    %dma_start3A_62 = tpu.memref_squeeze %dma_start3A_61 : memref<1x128x128xf32, #tpu.memory_space<vmem>> -> memref<128x128xf32, #tpu.memory_space<vmem>>
    %dma_start3A_63 = arith.constant 384 : i32
    %dma_start3A_64 = tpu.memref_slice %arg5[%dma_start3A_63] : memref<8192xi32, #tpu.memory_space<vmem>> -> memref<128xi32, #tpu.memory_space<vmem>>
    %dma_start3A_65 = arith.constant 0 : i32
    %dma_start3A_66 = arith.constant 0 : i32
    %dma_start3A_67 = tpu.memref_slice %arg6[%dma_start3A_65, %dma_start3A_66] : memref<22x128xf32, #tpu.memory_space<vmem_shared>> -> memref<22x128xf32, #tpu.memory_space<vmem_shared>>
    tpu.enqueue_indirect_dma source(%dma_start3A_67 : memref<22x128xf32, #tpu.memory_space<vmem_shared>>) target(%dma_start3A_62 : memref<128x128xf32, #tpu.memory_space<vmem>>) offsets(%dma_start3A_64 : memref<128xi32, #tpu.memory_space<vmem>>) semaphore(%arg8 : memref<!tpu.dma_semaphore, #tpu.memory_space<semaphore_mem>>)
    %dma_wait3A_68 = arith.constant 1 : i32
    %dma_wait3A_69 = arith.constant 0 : i32
    %dma_wait3A_70 = arith.constant 0 : i32
    %dma_wait3A_71 = tpu.memref_slice %arg7[%dma_wait3A_68, %dma_wait3A_69, %dma_wait3A_70] : memref<4x128x128xf32, #tpu.memory_space<vmem>> -> memref<1x128x128xf32, #tpu.memory_space<vmem>>
    %dma_wait3A_72 = tpu.memref_squeeze %dma_wait3A_71 : memref<1x128x128xf32, #tpu.memory_space<vmem>> -> memref<128x128xf32, #tpu.memory_space<vmem>>
    %dma_wait3A_73 = arith.constant 0 : i32
    %dma_wait3A_74 = tpu.memref_slice %arg5[%dma_wait3A_73] : memref<8192xi32, #tpu.memory_space<vmem>> -> memref<128xi32, #tpu.memory_space<vmem>>
    %dma_wait3A_75 = arith.constant 0 : i32
    %dma_wait3A_76 = arith.constant 0 : i32
    %dma_wait3A_77 = tpu.memref_slice %arg6[%dma_wait3A_75, %dma_wait3A_76] : memref<22x128xf32, #tpu.memory_space<vmem_shared>> -> memref<22x128xf32, #tpu.memory_space<vmem_shared>>
    tpu.wait_indirect_dma semaphore(%arg8 : memref<!tpu.dma_semaphore, #tpu.memory_space<semaphore_mem>>) src(%dma_wait3A_77 : memref<22x128xf32, #tpu.memory_space<vmem_shared>>) dst(%dma_wait3A_72 : memref<128x128xf32, #tpu.memory_space<vmem>>)
    %add3A_78 = arith.constant 128 : i32
    %add3A_79 = arith.addi %mul3A_2, %add3A_78 : i32
    %dma_start3A_80 = arith.constant 1 : i32
    %dma_start3A_81 = arith.constant 0 : i32
    %dma_start3A_82 = arith.constant 0 : i32
    %dma_start3A_83 = tpu.memref_slice %arg7[%dma_start3A_80, %dma_start3A_81, %dma_start3A_82] : memref<4x128x128xf32, #tpu.memory_space<vmem>> -> memref<1x128x128xf32, #tpu.memory_space<vmem>>
    %dma_start3A_84 = tpu.memref_squeeze %dma_start3A_83 : memref<1x128x128xf32, #tpu.memory_space<vmem>> -> memref<128x128xf32, #tpu.memory_space<vmem>>
    %dma_start3A_85 = arith.constant 0 : i32
    %dma_start3A_86 = tpu.memref_slice %arg4[%add3A_79, %dma_start3A_85] : memref<262144x128xf32, #tpu.memory_space<hbm>> -> memref<128x128xf32, #tpu.memory_space<hbm>>
    %dma_start3A_87 = arith.constant 0 : i32
    %dma_start3A_88 = tpu.memref_slice %arg4[%add3A_79, %dma_start3A_87] : memref<262144x128xf32, #tpu.memory_space<hbm>> -> memref<128x128xf32, #tpu.memory_space<hbm>>
    %dma_start3A_89 = arith.constant 0 : i32
    %dma_start3A_90 = arith.constant 0 : i32
    %dma_start3A_91 = tpu.memref_slice %arg7[%dma_start3A_80, %dma_start3A_89, %dma_start3A_90] : memref<4x128x128xf32, #tpu.memory_space<vmem>> -> memref<1x128x128xf32, #tpu.memory_space<vmem>>
    %dma_start3A_92 = tpu.memref_squeeze %dma_start3A_91 : memref<1x128x128xf32, #tpu.memory_space<vmem>> -> memref<128x128xf32, #tpu.memory_space<vmem>>
    tpu.enqueue_dma source(%dma_start3A_92 : memref<128x128xf32, #tpu.memory_space<vmem>>) target(%dma_start3A_88 : memref<128x128xf32, #tpu.memory_space<hbm>>) target_semaphore(%arg10 : memref<!tpu.dma_semaphore, #tpu.memory_space<semaphore_mem>>)
    %dma_wait3A_93 = arith.constant 0 : i32
    %dma_wait3A_94 = arith.constant 0 : i32
    %dma_wait3A_95 = arith.constant 0 : i32
    %dma_wait3A_96 = tpu.memref_slice %arg7[%dma_wait3A_93, %dma_wait3A_94, %dma_wait3A_95] : memref<4x128x128xf32, #tpu.memory_space<vmem>> -> memref<1x128x128xf32, #tpu.memory_space<vmem>>
    %dma_wait3A_97 = tpu.memref_squeeze %dma_wait3A_96 : memref<1x128x128xf32, #tpu.memory_space<vmem>> -> memref<128x128xf32, #tpu.memory_space<vmem>>
    %dma_wait3A_98 = arith.constant 0 : i32
    %dma_wait3A_99 = arith.constant 0 : i32
    %dma_wait3A_100 = tpu.memref_slice %arg4[%dma_wait3A_98, %dma_wait3A_99] : memref<262144x128xf32, #tpu.memory_space<hbm>> -> memref<128x128xf32, #tpu.memory_space<hbm>>
    %dma_wait3A_101 = arith.constant 0 : i32
    %dma_wait3A_102 = arith.constant 0 : i32
    %dma_wait3A_103 = tpu.memref_slice %arg4[%dma_wait3A_101, %dma_wait3A_102] : memref<262144x128xf32, #tpu.memory_space<hbm>> -> memref<128x128xf32, #tpu.memory_space<hbm>>
    %dma_wait3A_104 = arith.constant 0 : i32
    %dma_wait3A_105 = arith.constant 0 : i32
    %dma_wait3A_106 = tpu.memref_slice %arg7[%dma_wait3A_93, %dma_wait3A_104, %dma_wait3A_105] : memref<4x128x128xf32, #tpu.memory_space<vmem>> -> memref<1x128x128xf32, #tpu.memory_space<vmem>>
    %dma_wait3A_107 = tpu.memref_squeeze %dma_wait3A_106 : memref<1x128x128xf32, #tpu.memory_space<vmem>> -> memref<128x128xf32, #tpu.memory_space<vmem>>
    tpu.wait_dma2 semaphore(%arg9 : memref<!tpu.dma_semaphore, #tpu.memory_space<semaphore_mem>>) src(%dma_wait3A_107 : memref<128x128xf32, #tpu.memory_space<vmem>>) dst(%dma_wait3A_103 : memref<128x128xf32, #tpu.memory_space<hbm>>)
    %dma_start3A_108 = arith.constant 0 : i32
    %dma_start3A_109 = arith.constant 0 : i32
    %dma_start3A_110 = arith.constant 0 : i32
    %dma_start3A_111 = tpu.memref_slice %arg7[%dma_start3A_108, %dma_start3A_109, %dma_start3A_110] : memref<4x128x128xf32, #tpu.memory_space<vmem>> -> memref<1x128x128xf32, #tpu.memory_space<vmem>>
    %dma_start3A_112 = tpu.memref_squeeze %dma_start3A_111 : memref<1x128x128xf32, #tpu.memory_space<vmem>> -> memref<128x128xf32, #tpu.memory_space<vmem>>
    %dma_start3A_113 = arith.constant 512 : i32
    %dma_start3A_114 = tpu.memref_slice %arg5[%dma_start3A_113] : memref<8192xi32, #tpu.memory_space<vmem>> -> memref<128xi32, #tpu.memory_space<vmem>>
    %dma_start3A_115 = arith.constant 0 : i32
    %dma_start3A_116 = arith.constant 0 : i32
    %dma_start3A_117 = tpu.memref_slice %arg6[%dma_start3A_115, %dma_start3A_116] : memref<22x128xf32, #tpu.memory_space<vmem_shared>> -> memref<22x128xf32, #tpu.memory_space<vmem_shared>>
    tpu.enqueue_indirect_dma source(%dma_start3A_117 : memref<22x128xf32, #tpu.memory_space<vmem_shared>>) target(%dma_start3A_112 : memref<128x128xf32, #tpu.memory_space<vmem>>) offsets(%dma_start3A_114 : memref<128xi32, #tpu.memory_space<vmem>>) semaphore(%arg8 : memref<!tpu.dma_semaphore, #tpu.memory_space<semaphore_mem>>)
    %dma_wait3A_118 = arith.constant 2 : i32
    %dma_wait3A_119 = arith.constant 0 : i32
    %dma_wait3A_120 = arith.constant 0 : i32
    %dma_wait3A_121 = tpu.memref_slice %arg7[%dma_wait3A_118, %dma_wait3A_119, %dma_wait3A_120] : memref<4x128x128xf32, #tpu.memory_space<vmem>> -> memref<1x128x128xf32, #tpu.memory_space<vmem>>
    %dma_wait3A_122 = tpu.memref_squeeze %dma_wait3A_121 : memref<1x128x128xf32, #tpu.memory_space<vmem>> -> memref<128x128xf32, #tpu.memory_space<vmem>>
    %dma_wait3A_123 = arith.constant 0 : i32
    %dma_wait3A_124 = tpu.memref_slice %arg5[%dma_wait3A_123] : memref<8192xi32, #tpu.memory_space<vmem>> -> memref<128xi32, #tpu.memory_space<vmem>>
    %dma_wait3A_125 = arith.constant 0 : i32
    %dma_wait3A_126 = arith.constant 0 : i32
    %dma_wait3A_127 = tpu.memref_slice %arg6[%dma_wait3A_125, %dma_wait3A_126] : memref<22x128xf32, #tpu.memory_space<vmem_shared>> -> memref<22x128xf32, #tpu.memory_space<vmem_shared>>
    tpu.wait_indirect_dma semaphore(%arg8 : memref<!tpu.dma_semaphore, #tpu.memory_space<semaphore_mem>>) src(%dma_wait3A_127 : memref<22x128xf32, #tpu.memory_space<vmem_shared>>) dst(%dma_wait3A_122 : memref<128x128xf32, #tpu.memory_space<vmem>>)
    %add3A_128 = arith.constant 256 : i32
    %add3A_129 = arith.addi %mul3A_2, %add3A_128 : i32
    %dma_start3A_130 = arith.constant 2 : i32
    %dma_start3A_131 = arith.constant 0 : i32
    %dma_start3A_132 = arith.constant 0 : i32
    %dma_start3A_133 = tpu.memref_slice %arg7[%dma_start3A_130, %dma_start3A_131, %dma_start3A_132] : memref<4x128x128xf32, #tpu.memory_space<vmem>> -> memref<1x128x128xf32, #tpu.memory_space<vmem>>
    %dma_start3A_134 = tpu.memref_squeeze %dma_start3A_133 : memref<1x128x128xf32, #tpu.memory_space<vmem>> -> memref<128x128xf32, #tpu.memory_space<vmem>>
    %dma_start3A_135 = arith.constant 0 : i32
    %dma_start3A_136 = tpu.memref_slice %arg4[%add3A_129, %dma_start3A_135] : memref<262144x128xf32, #tpu.memory_space<hbm>> -> memref<128x128xf32, #tpu.memory_space<hbm>>
    %dma_start3A_137 = arith.constant 0 : i32
    %dma_start3A_138 = tpu.memref_slice %arg4[%add3A_129, %dma_start3A_137] : memref<262144x128xf32, #tpu.memory_space<hbm>> -> memref<128x128xf32, #tpu.memory_space<hbm>>
    %dma_start3A_139 = arith.constant 0 : i32
    %dma_start3A_140 = arith.constant 0 : i32
    %dma_start3A_141 = tpu.memref_slice %arg7[%dma_start3A_130, %dma_start3A_139, %dma_start3A_140] : memref<4x128x128xf32, #tpu.memory_space<vmem>> -> memref<1x128x128xf32, #tpu.memory_space<vmem>>
    %dma_start3A_142 = tpu.memref_squeeze %dma_start3A_141 : memref<1x128x128xf32, #tpu.memory_space<vmem>> -> memref<128x128xf32, #tpu.memory_space<vmem>>
    tpu.enqueue_dma source(%dma_start3A_142 : memref<128x128xf32, #tpu.memory_space<vmem>>) target(%dma_start3A_138 : memref<128x128xf32, #tpu.memory_space<hbm>>) target_semaphore(%arg11 : memref<!tpu.dma_semaphore, #tpu.memory_space<semaphore_mem>>)
    %dma_wait3A_143 = arith.constant 1 : i32
    %dma_wait3A_144 = arith.constant 0 : i32
    %dma_wait3A_145 = arith.constant 0 : i32
    %dma_wait3A_146 = tpu.memref_slice %arg7[%dma_wait3A_143, %dma_wait3A_144, %dma_wait3A_145] : memref<4x128x128xf32, #tpu.memory_space<vmem>> -> memref<1x128x128xf32, #tpu.memory_space<vmem>>
    %dma_wait3A_147 = tpu.memref_squeeze %dma_wait3A_146 : memref<1x128x128xf32, #tpu.memory_space<vmem>> -> memref<128x128xf32, #tpu.memory_space<vmem>>
    %dma_wait3A_148 = arith.constant 0 : i32
    %dma_wait3A_149 = arith.constant 0 : i32
    %dma_wait3A_150 = tpu.memref_slice %arg4[%dma_wait3A_148, %dma_wait3A_149] : memref<262144x128xf32, #tpu.memory_space<hbm>> -> memref<128x128xf32, #tpu.memory_space<hbm>>
    %dma_wait3A_151 = arith.constant 0 : i32
    %dma_wait3A_152 = arith.constant 0 : i32
    %dma_wait3A_153 = tpu.memref_slice %arg4[%dma_wait3A_151, %dma_wait3A_152] : memref<262144x128xf32, #tpu.memory_space<hbm>> -> memref<128x128xf32, #tpu.memory_space<hbm>>
    %dma_wait3A_154 = arith.constant 0 : i32
    %dma_wait3A_155 = arith.constant 0 : i32
    %dma_wait3A_156 = tpu.memref_slice %arg7[%dma_wait3A_143, %dma_wait3A_154, %dma_wait3A_155] : memref<4x128x128xf32, #tpu.memory_space<vmem>> -> memref<1x128x128xf32, #tpu.memory_space<vmem>>
    %dma_wait3A_157 = tpu.memref_squeeze %dma_wait3A_156 : memref<1x128x128xf32, #tpu.memory_space<vmem>> -> memref<128x128xf32, #tpu.memory_space<vmem>>
    tpu.wait_dma2 semaphore(%arg10 : memref<!tpu.dma_semaphore, #tpu.memory_space<semaphore_mem>>) src(%dma_wait3A_157 : memref<128x128xf32, #tpu.memory_space<vmem>>) dst(%dma_wait3A_153 : memref<128x128xf32, #tpu.memory_space<hbm>>)
    %dma_start3A_158 = arith.constant 1 : i32
    %dma_start3A_159 = arith.constant 0 : i32
    %dma_start3A_160 = arith.constant 0 : i32
    %dma_start3A_161 = tpu.memref_slice %arg7[%dma_start3A_158, %dma_start3A_159, %dma_start3A_160] : memref<4x128x128xf32, #tpu.memory_space<vmem>> -> memref<1x128x128xf32, #tpu.memory_space<vmem>>
    %dma_start3A_162 = tpu.memref_squeeze %dma_start3A_161 : memref<1x128x128xf32, #tpu.memory_space<vmem>> -> memref<128x128xf32, #tpu.memory_space<vmem>>
    %dma_start3A_163 = arith.constant 640 : i32
    %dma_start3A_164 = tpu.memref_slice %arg5[%dma_start3A_163] : memref<8192xi32, #tpu.memory_space<vmem>> -> memref<128xi32, #tpu.memory_space<vmem>>
    %dma_start3A_165 = arith.constant 0 : i32
    %dma_start3A_166 = arith.constant 0 : i32
    %dma_start3A_167 = tpu.memref_slice %arg6[%dma_start3A_165, %dma_start3A_166] : memref<22x128xf32, #tpu.memory_space<vmem_shared>> -> memref<22x128xf32, #tpu.memory_space<vmem_shared>>
    tpu.enqueue_indirect_dma source(%dma_start3A_167 : memref<22x128xf32, #tpu.memory_space<vmem_shared>>) target(%dma_start3A_162 : memref<128x128xf32, #tpu.memory_space<vmem>>) offsets(%dma_start3A_164 : memref<128xi32, #tpu.memory_space<vmem>>) semaphore(%arg8 : memref<!tpu.dma_semaphore, #tpu.memory_space<semaphore_mem>>)
    %dma_wait3A_168 = arith.constant 3 : i32
    %dma_wait3A_169 = arith.constant 0 : i32
    %dma_wait3A_170 = arith.constant 0 : i32
    %dma_wait3A_171 = tpu.memref_slice %arg7[%dma_wait3A_168, %dma_wait3A_169, %dma_wait3A_170] : memref<4x128x128xf32, #tpu.memory_space<vmem>> -> memref<1x128x128xf32, #tpu.memory_space<vmem>>
    %dma_wait3A_172 = tpu.memref_squeeze %dma_wait3A_171 : memref<1x128x128xf32, #tpu.memory_space<vmem>> -> memref<128x128xf32, #tpu.memory_space<vmem>>
    %dma_wait3A_173 = arith.constant 0 : i32
    %dma_wait3A_174 = tpu.memref_slice %arg5[%dma_wait3A_173] : memref<8192xi32, #tpu.memory_space<vmem>> -> memref<128xi32, #tpu.memory_space<vmem>>
    %dma_wait3A_175 = arith.constant 0 : i32
    %dma_wait3A_176 = arith.constant 0 : i32
    %dma_wait3A_177 = tpu.memref_slice %arg6[%dma_wait3A_175, %dma_wait3A_176] : memref<22x128xf32, #tpu.memory_space<vmem_shared>> -> memref<22x128xf32, #tpu.memory_space<vmem_shared>>
    tpu.wait_indirect_dma semaphore(%arg8 : memref<!tpu.dma_semaphore, #tpu.memory_space<semaphore_mem>>) src(%dma_wait3A_177 : memref<22x128xf32, #tpu.memory_space<vmem_shared>>) dst(%dma_wait3A_172 : memref<128x128xf32, #tpu.memory_space<vmem>>)
    %add3A_178 = arith.constant 384 : i32
    %add3A_179 = arith.addi %mul3A_2, %add3A_178 : i32
    %dma_start3A_180 = arith.constant 3 : i32
    %dma_start3A_181 = arith.constant 0 : i32
    %dma_start3A_182 = arith.constant 0 : i32
    %dma_start3A_183 = tpu.memref_slice %arg7[%dma_start3A_180, %dma_start3A_181, %dma_start3A_182] : memref<4x128x128xf32, #tpu.memory_space<vmem>> -> memref<1x128x128xf32, #tpu.memory_space<vmem>>
    %dma_start3A_184 = tpu.memref_squeeze %dma_start3A_183 : memref<1x128x128xf32, #tpu.memory_space<vmem>> -> memref<128x128xf32, #tpu.memory_space<vmem>>
    %dma_start3A_185 = arith.constant 0 : i32
    %dma_start3A_186 = tpu.memref_slice %arg4[%add3A_179, %dma_start3A_185] : memref<262144x128xf32, #tpu.memory_space<hbm>> -> memref<128x128xf32, #tpu.memory_space<hbm>>
    %dma_start3A_187 = arith.constant 0 : i32
    %dma_start3A_188 = tpu.memref_slice %arg4[%add3A_179, %dma_start3A_187] : memref<262144x128xf32, #tpu.memory_space<hbm>> -> memref<128x128xf32, #tpu.memory_space<hbm>>
    %dma_start3A_189 = arith.constant 0 : i32
    %dma_start3A_190 = arith.constant 0 : i32
    %dma_start3A_191 = tpu.memref_slice %arg7[%dma_start3A_180, %dma_start3A_189, %dma_start3A_190] : memref<4x128x128xf32, #tpu.memory_space<vmem>> -> memref<1x128x128xf32, #tpu.memory_space<vmem>>
    %dma_start3A_192 = tpu.memref_squeeze %dma_start3A_191 : memref<1x128x128xf32, #tpu.memory_space<vmem>> -> memref<128x128xf32, #tpu.memory_space<vmem>>
    tpu.enqueue_dma source(%dma_start3A_192 : memref<128x128xf32, #tpu.memory_space<vmem>>) target(%dma_start3A_188 : memref<128x128xf32, #tpu.memory_space<hbm>>) target_semaphore(%arg12 : memref<!tpu.dma_semaphore, #tpu.memory_space<semaphore_mem>>)
    %dma_wait3A_193 = arith.constant 2 : i32
    %dma_wait3A_194 = arith.constant 0 : i32
    %dma_wait3A_195 = arith.constant 0 : i32
    %dma_wait3A_196 = tpu.memref_slice %arg7[%dma_wait3A_193, %dma_wait3A_194, %dma_wait3A_195] : memref<4x128x128xf32, #tpu.memory_space<vmem>> -> memref<1x128x128xf32, #tpu.memory_space<vmem>>
    %dma_wait3A_197 = tpu.memref_squeeze %dma_wait3A_196 : memref<1x128x128xf32, #tpu.memory_space<vmem>> -> memref<128x128xf32, #tpu.memory_space<vmem>>
    %dma_wait3A_198 = arith.constant 0 : i32
    %dma_wait3A_199 = arith.constant 0 : i32
    %dma_wait3A_200 = tpu.memref_slice %arg4[%dma_wait3A_198, %dma_wait3A_199] : memref<262144x128xf32, #tpu.memory_space<hbm>> -> memref<128x128xf32, #tpu.memory_space<hbm>>
    %dma_wait3A_201 = arith.constant 0 : i32
    %dma_wait3A_202 = arith.constant 0 : i32
    %dma_wait3A_203 = tpu.memref_slice %arg4[%dma_wait3A_201, %dma_wait3A_202] : memref<262144x128xf32, #tpu.memory_space<hbm>> -> memref<128x128xf32, #tpu.memory_space<hbm>>
    %dma_wait3A_204 = arith.constant 0 : i32
    %dma_wait3A_205 = arith.constant 0 : i32
    %dma_wait3A_206 = tpu.memref_slice %arg7[%dma_wait3A_193, %dma_wait3A_204, %dma_wait3A_205] : memref<4x128x128xf32, #tpu.memory_space<vmem>> -> memref<1x128x128xf32, #tpu.memory_space<vmem>>
    %dma_wait3A_207 = tpu.memref_squeeze %dma_wait3A_206 : memref<1x128x128xf32, #tpu.memory_space<vmem>> -> memref<128x128xf32, #tpu.memory_space<vmem>>
    tpu.wait_dma2 semaphore(%arg11 : memref<!tpu.dma_semaphore, #tpu.memory_space<semaphore_mem>>) src(%dma_wait3A_207 : memref<128x128xf32, #tpu.memory_space<vmem>>) dst(%dma_wait3A_203 : memref<128x128xf32, #tpu.memory_space<hbm>>)
    %dma_start3A_208 = arith.constant 2 : i32
    %dma_start3A_209 = arith.constant 0 : i32
    %dma_start3A_210 = arith.constant 0 : i32
    %dma_start3A_211 = tpu.memref_slice %arg7[%dma_start3A_208, %dma_start3A_209, %dma_start3A_210] : memref<4x128x128xf32, #tpu.memory_space<vmem>> -> memref<1x128x128xf32, #tpu.memory_space<vmem>>
    %dma_start3A_212 = tpu.memref_squeeze %dma_start3A_211 : memref<1x128x128xf32, #tpu.memory_space<vmem>> -> memref<128x128xf32, #tpu.memory_space<vmem>>
    %dma_start3A_213 = arith.constant 768 : i32
    %dma_start3A_214 = tpu.memref_slice %arg5[%dma_start3A_213] : memref<8192xi32, #tpu.memory_space<vmem>> -> memref<128xi32, #tpu.memory_space<vmem>>
    %dma_start3A_215 = arith.constant 0 : i32
    %dma_start3A_216 = arith.constant 0 : i32
    %dma_start3A_217 = tpu.memref_slice %arg6[%dma_start3A_215, %dma_start3A_216] : memref<22x128xf32, #tpu.memory_space<vmem_shared>> -> memref<22x128xf32, #tpu.memory_space<vmem_shared>>
    tpu.enqueue_indirect_dma source(%dma_start3A_217 : memref<22x128xf32, #tpu.memory_space<vmem_shared>>) target(%dma_start3A_212 : memref<128x128xf32, #tpu.memory_space<vmem>>) offsets(%dma_start3A_214 : memref<128xi32, #tpu.memory_space<vmem>>) semaphore(%arg8 : memref<!tpu.dma_semaphore, #tpu.memory_space<semaphore_mem>>)
    %scan3A = arith.constant 0 : i32
    %scan3A_218 = arith.constant 1 : i32
    %scan3A_219 = arith.constant 14 : i32
    %scan3A_220 = arith.addi %scan3A_218, %scan3A_219 : i32
    %scan3A_221 = arith.constant 1 : i32
    %scan3A_222 = scf.for %scan3A_409 = %scan3A_218 to %scan3A_220 step %scan3A_221 iter_args(%scan3A_410 = %scan3A) -> (i32)  : i32 {
      %mul3A_411 = arith.constant 4 : i32
      %mul3A_412 = arith.muli %mul3A_411, %scan3A_409 : i32
      %add3A_413 = arith.constant 0 : i32
      %add3A_414 = arith.addi %mul3A_412, %add3A_413 : i32
      %dma_wait3A_415 = arith.constant 0 : i32
      %dma_wait3A_416 = arith.constant 0 : i32
      %dma_wait3A_417 = arith.constant 0 : i32
      %dma_wait3A_418 = tpu.memref_slice %arg7[%dma_wait3A_415, %dma_wait3A_416, %dma_wait3A_417] : memref<4x128x128xf32, #tpu.memory_space<vmem>> -> memref<1x128x128xf32, #tpu.memory_space<vmem>>
      %dma_wait3A_419 = tpu.memref_squeeze %dma_wait3A_418 : memref<1x128x128xf32, #tpu.memory_space<vmem>> -> memref<128x128xf32, #tpu.memory_space<vmem>>
      %dma_wait3A_420 = arith.constant 0 : i32
      %dma_wait3A_421 = tpu.memref_slice %arg5[%dma_wait3A_420] : memref<8192xi32, #tpu.memory_space<vmem>> -> memref<128xi32, #tpu.memory_space<vmem>>
      %dma_wait3A_422 = arith.constant 0 : i32
      %dma_wait3A_423 = arith.constant 0 : i32
      %dma_wait3A_424 = tpu.memref_slice %arg6[%dma_wait3A_422, %dma_wait3A_423] : memref<22x128xf32, #tpu.memory_space<vmem_shared>> -> memref<22x128xf32, #tpu.memory_space<vmem_shared>>
      tpu.wait_indirect_dma semaphore(%arg8 : memref<!tpu.dma_semaphore, #tpu.memory_space<semaphore_mem>>) src(%dma_wait3A_424 : memref<22x128xf32, #tpu.memory_space<vmem_shared>>) dst(%dma_wait3A_419 : memref<128x128xf32, #tpu.memory_space<vmem>>)
      %mul3A_425 = arith.constant 128 : i32
      %mul3A_426 = arith.muli %add3A_414, %mul3A_425 : i32
      %add3A_427 = arith.addi %mul3A_2, %mul3A_426 : i32
      %dma_start3A_428 = arith.constant 0 : i32
      %dma_start3A_429 = arith.constant 0 : i32
      %dma_start3A_430 = arith.constant 0 : i32
      %dma_start3A_431 = tpu.memref_slice %arg7[%dma_start3A_428, %dma_start3A_429, %dma_start3A_430] : memref<4x128x128xf32, #tpu.memory_space<vmem>> -> memref<1x128x128xf32, #tpu.memory_space<vmem>>
      %dma_start3A_432 = tpu.memref_squeeze %dma_start3A_431 : memref<1x128x128xf32, #tpu.memory_space<vmem>> -> memref<128x128xf32, #tpu.memory_space<vmem>>
      %dma_start3A_433 = arith.constant 0 : i32
      %dma_start3A_434 = tpu.memref_slice %arg4[%add3A_427, %dma_start3A_433] : memref<262144x128xf32, #tpu.memory_space<hbm>> -> memref<128x128xf32, #tpu.memory_space<hbm>>
      %dma_start3A_435 = arith.constant 0 : i32
      %dma_start3A_436 = tpu.memref_slice %arg4[%add3A_427, %dma_start3A_435] : memref<262144x128xf32, #tpu.memory_space<hbm>> -> memref<128x128xf32, #tpu.memory_space<hbm>>
      %dma_start3A_437 = arith.constant 0 : i32
      %dma_start3A_438 = arith.constant 0 : i32
      %dma_start3A_439 = tpu.memref_slice %arg7[%dma_start3A_428, %dma_start3A_437, %dma_start3A_438] : memref<4x128x128xf32, #tpu.memory_space<vmem>> -> memref<1x128x128xf32, #tpu.memory_space<vmem>>
      %dma_start3A_440 = tpu.memref_squeeze %dma_start3A_439 : memref<1x128x128xf32, #tpu.memory_space<vmem>> -> memref<128x128xf32, #tpu.memory_space<vmem>>
      tpu.enqueue_dma source(%dma_start3A_440 : memref<128x128xf32, #tpu.memory_space<vmem>>) target(%dma_start3A_436 : memref<128x128xf32, #tpu.memory_space<hbm>>) target_semaphore(%arg9 : memref<!tpu.dma_semaphore, #tpu.memory_space<semaphore_mem>>)
      %dma_wait3A_441 = arith.constant 3 : i32
      %dma_wait3A_442 = arith.constant 0 : i32
      %dma_wait3A_443 = arith.constant 0 : i32
      %dma_wait3A_444 = tpu.memref_slice %arg7[%dma_wait3A_441, %dma_wait3A_442, %dma_wait3A_443] : memref<4x128x128xf32, #tpu.memory_space<vmem>> -> memref<1x128x128xf32, #tpu.memory_space<vmem>>
      %dma_wait3A_445 = tpu.memref_squeeze %dma_wait3A_444 : memref<1x128x128xf32, #tpu.memory_space<vmem>> -> memref<128x128xf32, #tpu.memory_space<vmem>>
      %dma_wait3A_446 = arith.constant 0 : i32
      %dma_wait3A_447 = arith.constant 0 : i32
      %dma_wait3A_448 = tpu.memref_slice %arg4[%dma_wait3A_446, %dma_wait3A_447] : memref<262144x128xf32, #tpu.memory_space<hbm>> -> memref<128x128xf32, #tpu.memory_space<hbm>>
      %dma_wait3A_449 = arith.constant 0 : i32
      %dma_wait3A_450 = arith.constant 0 : i32
      %dma_wait3A_451 = tpu.memref_slice %arg4[%dma_wait3A_449, %dma_wait3A_450] : memref<262144x128xf32, #tpu.memory_space<hbm>> -> memref<128x128xf32, #tpu.memory_space<hbm>>
      %dma_wait3A_452 = arith.constant 0 : i32
      %dma_wait3A_453 = arith.constant 0 : i32
      %dma_wait3A_454 = tpu.memref_slice %arg7[%dma_wait3A_441, %dma_wait3A_452, %dma_wait3A_453] : memref<4x128x128xf32, #tpu.memory_space<vmem>> -> memref<1x128x128xf32, #tpu.memory_space<vmem>>
      %dma_wait3A_455 = tpu.memref_squeeze %dma_wait3A_454 : memref<1x128x128xf32, #tpu.memory_space<vmem>> -> memref<128x128xf32, #tpu.memory_space<vmem>>
      tpu.wait_dma2 semaphore(%arg12 : memref<!tpu.dma_semaphore, #tpu.memory_space<semaphore_mem>>) src(%dma_wait3A_455 : memref<128x128xf32, #tpu.memory_space<vmem>>) dst(%dma_wait3A_451 : memref<128x128xf32, #tpu.memory_space<hbm>>)
      %add3A_456 = arith.constant 4 : i32
      %add3A_457 = arith.addi %add3A_414, %add3A_456 : i32
      %sub3A = arith.constant 1 : i32
      %sub3A_458 = arith.subi %add3A_457, %sub3A : i32
      %mul3A_459 = arith.constant 128 : i32
      %mul3A_460 = arith.muli %sub3A_458, %mul3A_459 : i32
      %dma_start3A_461 = arith.constant 3 : i32
      %dma_start3A_462 = arith.constant 0 : i32
      %dma_start3A_463 = arith.constant 0 : i32
      %dma_start3A_464 = tpu.memref_slice %arg7[%dma_start3A_461, %dma_start3A_462, %dma_start3A_463] : memref<4x128x128xf32, #tpu.memory_space<vmem>> -> memref<1x128x128xf32, #tpu.memory_space<vmem>>
      %dma_start3A_465 = tpu.memref_squeeze %dma_start3A_464 : memref<1x128x128xf32, #tpu.memory_space<vmem>> -> memref<128x128xf32, #tpu.memory_space<vmem>>
      %dma_start3A_466 = tpu.memref_slice %arg5[%mul3A_460] : memref<8192xi32, #tpu.memory_space<vmem>> -> memref<128xi32, #tpu.memory_space<vmem>>
      %dma_start3A_467 = arith.constant 0 : i32
      %dma_start3A_468 = arith.constant 0 : i32
      %dma_start3A_469 = tpu.memref_slice %arg6[%dma_start3A_467, %dma_start3A_468] : memref<22x128xf32, #tpu.memory_space<vmem_shared>> -> memref<22x128xf32, #tpu.memory_space<vmem_shared>>
      tpu.enqueue_indirect_dma source(%dma_start3A_469 : memref<22x128xf32, #tpu.memory_space<vmem_shared>>) target(%dma_start3A_465 : memref<128x128xf32, #tpu.memory_space<vmem>>) offsets(%dma_start3A_466 : memref<128xi32, #tpu.memory_space<vmem>>) semaphore(%arg8 : memref<!tpu.dma_semaphore, #tpu.memory_space<semaphore_mem>>)
      %mul3A_470 = arith.constant 4 : i32
      %mul3A_471 = arith.muli %mul3A_470, %scan3A_409 : i32
      %add3A_472 = arith.constant 1 : i32
      %add3A_473 = arith.addi %mul3A_471, %add3A_472 : i32
      %dma_wait3A_474 = arith.constant 1 : i32
      %dma_wait3A_475 = arith.constant 0 : i32
      %dma_wait3A_476 = arith.constant 0 : i32
      %dma_wait3A_477 = tpu.memref_slice %arg7[%dma_wait3A_474, %dma_wait3A_475, %dma_wait3A_476] : memref<4x128x128xf32, #tpu.memory_space<vmem>> -> memref<1x128x128xf32, #tpu.memory_space<vmem>>
      %dma_wait3A_478 = tpu.memref_squeeze %dma_wait3A_477 : memref<1x128x128xf32, #tpu.memory_space<vmem>> -> memref<128x128xf32, #tpu.memory_space<vmem>>
      %dma_wait3A_479 = arith.constant 0 : i32
      %dma_wait3A_480 = tpu.memref_slice %arg5[%dma_wait3A_479] : memref<8192xi32, #tpu.memory_space<vmem>> -> memref<128xi32, #tpu.memory_space<vmem>>
      %dma_wait3A_481 = arith.constant 0 : i32
      %dma_wait3A_482 = arith.constant 0 : i32
      %dma_wait3A_483 = tpu.memref_slice %arg6[%dma_wait3A_481, %dma_wait3A_482] : memref<22x128xf32, #tpu.memory_space<vmem_shared>> -> memref<22x128xf32, #tpu.memory_space<vmem_shared>>
      tpu.wait_indirect_dma semaphore(%arg8 : memref<!tpu.dma_semaphore, #tpu.memory_space<semaphore_mem>>) src(%dma_wait3A_483 : memref<22x128xf32, #tpu.memory_space<vmem_shared>>) dst(%dma_wait3A_478 : memref<128x128xf32, #tpu.memory_space<vmem>>)
      %mul3A_484 = arith.constant 128 : i32
      %mul3A_485 = arith.muli %add3A_473, %mul3A_484 : i32
      %add3A_486 = arith.addi %mul3A_2, %mul3A_485 : i32
      %dma_start3A_487 = arith.constant 1 : i32
      %dma_start3A_488 = arith.constant 0 : i32
      %dma_start3A_489 = arith.constant 0 : i32
      %dma_start3A_490 = tpu.memref_slice %arg7[%dma_start3A_487, %dma_start3A_488, %dma_start3A_489] : memref<4x128x128xf32, #tpu.memory_space<vmem>> -> memref<1x128x128xf32, #tpu.memory_space<vmem>>
      %dma_start3A_491 = tpu.memref_squeeze %dma_start3A_490 : memref<1x128x128xf32, #tpu.memory_space<vmem>> -> memref<128x128xf32, #tpu.memory_space<vmem>>
      %dma_start3A_492 = arith.constant 0 : i32
      %dma_start3A_493 = tpu.memref_slice %arg4[%add3A_486, %dma_start3A_492] : memref<262144x128xf32, #tpu.memory_space<hbm>> -> memref<128x128xf32, #tpu.memory_space<hbm>>
      %dma_start3A_494 = arith.constant 0 : i32
      %dma_start3A_495 = tpu.memref_slice %arg4[%add3A_486, %dma_start3A_494] : memref<262144x128xf32, #tpu.memory_space<hbm>> -> memref<128x128xf32, #tpu.memory_space<hbm>>
      %dma_start3A_496 = arith.constant 0 : i32
      %dma_start3A_497 = arith.constant 0 : i32
      %dma_start3A_498 = tpu.memref_slice %arg7[%dma_start3A_487, %dma_start3A_496, %dma_start3A_497] : memref<4x128x128xf32, #tpu.memory_space<vmem>> -> memref<1x128x128xf32, #tpu.memory_space<vmem>>
      %dma_start3A_499 = tpu.memref_squeeze %dma_start3A_498 : memref<1x128x128xf32, #tpu.memory_space<vmem>> -> memref<128x128xf32, #tpu.memory_space<vmem>>
      tpu.enqueue_dma source(%dma_start3A_499 : memref<128x128xf32, #tpu.memory_space<vmem>>) target(%dma_start3A_495 : memref<128x128xf32, #tpu.memory_space<hbm>>) target_semaphore(%arg10 : memref<!tpu.dma_semaphore, #tpu.memory_space<semaphore_mem>>)
      %dma_wait3A_500 = arith.constant 0 : i32
      %dma_wait3A_501 = arith.constant 0 : i32
      %dma_wait3A_502 = arith.constant 0 : i32
      %dma_wait3A_503 = tpu.memref_slice %arg7[%dma_wait3A_500, %dma_wait3A_501, %dma_wait3A_502] : memref<4x128x128xf32, #tpu.memory_space<vmem>> -> memref<1x128x128xf32, #tpu.memory_space<vmem>>
      %dma_wait3A_504 = tpu.memref_squeeze %dma_wait3A_503 : memref<1x128x128xf32, #tpu.memory_space<vmem>> -> memref<128x128xf32, #tpu.memory_space<vmem>>
      %dma_wait3A_505 = arith.constant 0 : i32
      %dma_wait3A_506 = arith.constant 0 : i32
      %dma_wait3A_507 = tpu.memref_slice %arg4[%dma_wait3A_505, %dma_wait3A_506] : memref<262144x128xf32, #tpu.memory_space<hbm>> -> memref<128x128xf32, #tpu.memory_space<hbm>>
      %dma_wait3A_508 = arith.constant 0 : i32
      %dma_wait3A_509 = arith.constant 0 : i32
      %dma_wait3A_510 = tpu.memref_slice %arg4[%dma_wait3A_508, %dma_wait3A_509] : memref<262144x128xf32, #tpu.memory_space<hbm>> -> memref<128x128xf32, #tpu.memory_space<hbm>>
      %dma_wait3A_511 = arith.constant 0 : i32
      %dma_wait3A_512 = arith.constant 0 : i32
      %dma_wait3A_513 = tpu.memref_slice %arg7[%dma_wait3A_500, %dma_wait3A_511, %dma_wait3A_512] : memref<4x128x128xf32, #tpu.memory_space<vmem>> -> memref<1x128x128xf32, #tpu.memory_space<vmem>>
      %dma_wait3A_514 = tpu.memref_squeeze %dma_wait3A_513 : memref<1x128x128xf32, #tpu.memory_space<vmem>> -> memref<128x128xf32, #tpu.memory_space<vmem>>
      tpu.wait_dma2 semaphore(%arg9 : memref<!tpu.dma_semaphore, #tpu.memory_space<semaphore_mem>>) src(%dma_wait3A_514 : memref<128x128xf32, #tpu.memory_space<vmem>>) dst(%dma_wait3A_510 : memref<128x128xf32, #tpu.memory_space<hbm>>)
      %add3A_515 = arith.constant 4 : i32
      %add3A_516 = arith.addi %add3A_473, %add3A_515 : i32
      %sub3A_517 = arith.constant 1 : i32
      %sub3A_518 = arith.subi %add3A_516, %sub3A_517 : i32
      %mul3A_519 = arith.constant 128 : i32
      %mul3A_520 = arith.muli %sub3A_518, %mul3A_519 : i32
      %dma_start3A_521 = arith.constant 0 : i32
      %dma_start3A_522 = arith.constant 0 : i32
      %dma_start3A_523 = arith.constant 0 : i32
      %dma_start3A_524 = tpu.memref_slice %arg7[%dma_start3A_521, %dma_start3A_522, %dma_start3A_523] : memref<4x128x128xf32, #tpu.memory_space<vmem>> -> memref<1x128x128xf32, #tpu.memory_space<vmem>>
      %dma_start3A_525 = tpu.memref_squeeze %dma_start3A_524 : memref<1x128x128xf32, #tpu.memory_space<vmem>> -> memref<128x128xf32, #tpu.memory_space<vmem>>
      %dma_start3A_526 = tpu.memref_slice %arg5[%mul3A_520] : memref<8192xi32, #tpu.memory_space<vmem>> -> memref<128xi32, #tpu.memory_space<vmem>>
      %dma_start3A_527 = arith.constant 0 : i32
      %dma_start3A_528 = arith.constant 0 : i32
      %dma_start3A_529 = tpu.memref_slice %arg6[%dma_start3A_527, %dma_start3A_528] : memref<22x128xf32, #tpu.memory_space<vmem_shared>> -> memref<22x128xf32, #tpu.memory_space<vmem_shared>>
      tpu.enqueue_indirect_dma source(%dma_start3A_529 : memref<22x128xf32, #tpu.memory_space<vmem_shared>>) target(%dma_start3A_525 : memref<128x128xf32, #tpu.memory_space<vmem>>) offsets(%dma_start3A_526 : memref<128xi32, #tpu.memory_space<vmem>>) semaphore(%arg8 : memref<!tpu.dma_semaphore, #tpu.memory_space<semaphore_mem>>)
      %mul3A_530 = arith.constant 4 : i32
      %mul3A_531 = arith.muli %mul3A_530, %scan3A_409 : i32
      %add3A_532 = arith.constant 2 : i32
      %add3A_533 = arith.addi %mul3A_531, %add3A_532 : i32
      %dma_wait3A_534 = arith.constant 2 : i32
      %dma_wait3A_535 = arith.constant 0 : i32
      %dma_wait3A_536 = arith.constant 0 : i32
      %dma_wait3A_537 = tpu.memref_slice %arg7[%dma_wait3A_534, %dma_wait3A_535, %dma_wait3A_536] : memref<4x128x128xf32, #tpu.memory_space<vmem>> -> memref<1x128x128xf32, #tpu.memory_space<vmem>>
      %dma_wait3A_538 = tpu.memref_squeeze %dma_wait3A_537 : memref<1x128x128xf32, #tpu.memory_space<vmem>> -> memref<128x128xf32, #tpu.memory_space<vmem>>
      %dma_wait3A_539 = arith.constant 0 : i32
      %dma_wait3A_540 = tpu.memref_slice %arg5[%dma_wait3A_539] : memref<8192xi32, #tpu.memory_space<vmem>> -> memref<128xi32, #tpu.memory_space<vmem>>
      %dma_wait3A_541 = arith.constant 0 : i32
      %dma_wait3A_542 = arith.constant 0 : i32
      %dma_wait3A_543 = tpu.memref_slice %arg6[%dma_wait3A_541, %dma_wait3A_542] : memref<22x128xf32, #tpu.memory_space<vmem_shared>> -> memref<22x128xf32, #tpu.memory_space<vmem_shared>>
      tpu.wait_indirect_dma semaphore(%arg8 : memref<!tpu.dma_semaphore, #tpu.memory_space<semaphore_mem>>) src(%dma_wait3A_543 : memref<22x128xf32, #tpu.memory_space<vmem_shared>>) dst(%dma_wait3A_538 : memref<128x128xf32, #tpu.memory_space<vmem>>)
      %mul3A_544 = arith.constant 128 : i32
      %mul3A_545 = arith.muli %add3A_533, %mul3A_544 : i32
      %add3A_546 = arith.addi %mul3A_2, %mul3A_545 : i32
      %dma_start3A_547 = arith.constant 2 : i32
      %dma_start3A_548 = arith.constant 0 : i32
      %dma_start3A_549 = arith.constant 0 : i32
      %dma_start3A_550 = tpu.memref_slice %arg7[%dma_start3A_547, %dma_start3A_548, %dma_start3A_549] : memref<4x128x128xf32, #tpu.memory_space<vmem>> -> memref<1x128x128xf32, #tpu.memory_space<vmem>>
      %dma_start3A_551 = tpu.memref_squeeze %dma_start3A_550 : memref<1x128x128xf32, #tpu.memory_space<vmem>> -> memref<128x128xf32, #tpu.memory_space<vmem>>
      %dma_start3A_552 = arith.constant 0 : i32
      %dma_start3A_553 = tpu.memref_slice %arg4[%add3A_546, %dma_start3A_552] : memref<262144x128xf32, #tpu.memory_space<hbm>> -> memref<128x128xf32, #tpu.memory_space<hbm>>
      %dma_start3A_554 = arith.constant 0 : i32
      %dma_start3A_555 = tpu.memref_slice %arg4[%add3A_546, %dma_start3A_554] : memref<262144x128xf32, #tpu.memory_space<hbm>> -> memref<128x128xf32, #tpu.memory_space<hbm>>
      %dma_start3A_556 = arith.constant 0 : i32
      %dma_start3A_557 = arith.constant 0 : i32
      %dma_start3A_558 = tpu.memref_slice %arg7[%dma_start3A_547, %dma_start3A_556, %dma_start3A_557] : memref<4x128x128xf32, #tpu.memory_space<vmem>> -> memref<1x128x128xf32, #tpu.memory_space<vmem>>
      %dma_start3A_559 = tpu.memref_squeeze %dma_start3A_558 : memref<1x128x128xf32, #tpu.memory_space<vmem>> -> memref<128x128xf32, #tpu.memory_space<vmem>>
      tpu.enqueue_dma source(%dma_start3A_559 : memref<128x128xf32, #tpu.memory_space<vmem>>) target(%dma_start3A_555 : memref<128x128xf32, #tpu.memory_space<hbm>>) target_semaphore(%arg11 : memref<!tpu.dma_semaphore, #tpu.memory_space<semaphore_mem>>)
      %dma_wait3A_560 = arith.constant 1 : i32
      %dma_wait3A_561 = arith.constant 0 : i32
      %dma_wait3A_562 = arith.constant 0 : i32
      %dma_wait3A_563 = tpu.memref_slice %arg7[%dma_wait3A_560, %dma_wait3A_561, %dma_wait3A_562] : memref<4x128x128xf32, #tpu.memory_space<vmem>> -> memref<1x128x128xf32, #tpu.memory_space<vmem>>
      %dma_wait3A_564 = tpu.memref_squeeze %dma_wait3A_563 : memref<1x128x128xf32, #tpu.memory_space<vmem>> -> memref<128x128xf32, #tpu.memory_space<vmem>>
      %dma_wait3A_565 = arith.constant 0 : i32
      %dma_wait3A_566 = arith.constant 0 : i32
      %dma_wait3A_567 = tpu.memref_slice %arg4[%dma_wait3A_565, %dma_wait3A_566] : memref<262144x128xf32, #tpu.memory_space<hbm>> -> memref<128x128xf32, #tpu.memory_space<hbm>>
      %dma_wait3A_568 = arith.constant 0 : i32
      %dma_wait3A_569 = arith.constant 0 : i32
      %dma_wait3A_570 = tpu.memref_slice %arg4[%dma_wait3A_568, %dma_wait3A_569] : memref<262144x128xf32, #tpu.memory_space<hbm>> -> memref<128x128xf32, #tpu.memory_space<hbm>>
      %dma_wait3A_571 = arith.constant 0 : i32
      %dma_wait3A_572 = arith.constant 0 : i32
      %dma_wait3A_573 = tpu.memref_slice %arg7[%dma_wait3A_560, %dma_wait3A_571, %dma_wait3A_572] : memref<4x128x128xf32, #tpu.memory_space<vmem>> -> memref<1x128x128xf32, #tpu.memory_space<vmem>>
      %dma_wait3A_574 = tpu.memref_squeeze %dma_wait3A_573 : memref<1x128x128xf32, #tpu.memory_space<vmem>> -> memref<128x128xf32, #tpu.memory_space<vmem>>
      tpu.wait_dma2 semaphore(%arg10 : memref<!tpu.dma_semaphore, #tpu.memory_space<semaphore_mem>>) src(%dma_wait3A_574 : memref<128x128xf32, #tpu.memory_space<vmem>>) dst(%dma_wait3A_570 : memref<128x128xf32, #tpu.memory_space<hbm>>)
      %add3A_575 = arith.constant 4 : i32
      %add3A_576 = arith.addi %add3A_533, %add3A_575 : i32
      %sub3A_577 = arith.constant 1 : i32
      %sub3A_578 = arith.subi %add3A_576, %sub3A_577 : i32
      %mul3A_579 = arith.constant 128 : i32
      %mul3A_580 = arith.muli %sub3A_578, %mul3A_579 : i32
      %dma_start3A_581 = arith.constant 1 : i32
      %dma_start3A_582 = arith.constant 0 : i32
      %dma_start3A_583 = arith.constant 0 : i32
      %dma_start3A_584 = tpu.memref_slice %arg7[%dma_start3A_581, %dma_start3A_582, %dma_start3A_583] : memref<4x128x128xf32, #tpu.memory_space<vmem>> -> memref<1x128x128xf32, #tpu.memory_space<vmem>>
      %dma_start3A_585 = tpu.memref_squeeze %dma_start3A_584 : memref<1x128x128xf32, #tpu.memory_space<vmem>> -> memref<128x128xf32, #tpu.memory_space<vmem>>
      %dma_start3A_586 = tpu.memref_slice %arg5[%mul3A_580] : memref<8192xi32, #tpu.memory_space<vmem>> -> memref<128xi32, #tpu.memory_space<vmem>>
      %dma_start3A_587 = arith.constant 0 : i32
      %dma_start3A_588 = arith.constant 0 : i32
      %dma_start3A_589 = tpu.memref_slice %arg6[%dma_start3A_587, %dma_start3A_588] : memref<22x128xf32, #tpu.memory_space<vmem_shared>> -> memref<22x128xf32, #tpu.memory_space<vmem_shared>>
      tpu.enqueue_indirect_dma source(%dma_start3A_589 : memref<22x128xf32, #tpu.memory_space<vmem_shared>>) target(%dma_start3A_585 : memref<128x128xf32, #tpu.memory_space<vmem>>) offsets(%dma_start3A_586 : memref<128xi32, #tpu.memory_space<vmem>>) semaphore(%arg8 : memref<!tpu.dma_semaphore, #tpu.memory_space<semaphore_mem>>)
      %mul3A_590 = arith.constant 4 : i32
      %mul3A_591 = arith.muli %mul3A_590, %scan3A_409 : i32
      %add3A_592 = arith.constant 3 : i32
      %add3A_593 = arith.addi %mul3A_591, %add3A_592 : i32
      %dma_wait3A_594 = arith.constant 3 : i32
      %dma_wait3A_595 = arith.constant 0 : i32
      %dma_wait3A_596 = arith.constant 0 : i32
      %dma_wait3A_597 = tpu.memref_slice %arg7[%dma_wait3A_594, %dma_wait3A_595, %dma_wait3A_596] : memref<4x128x128xf32, #tpu.memory_space<vmem>> -> memref<1x128x128xf32, #tpu.memory_space<vmem>>
      %dma_wait3A_598 = tpu.memref_squeeze %dma_wait3A_597 : memref<1x128x128xf32, #tpu.memory_space<vmem>> -> memref<128x128xf32, #tpu.memory_space<vmem>>
      %dma_wait3A_599 = arith.constant 0 : i32
      %dma_wait3A_600 = tpu.memref_slice %arg5[%dma_wait3A_599] : memref<8192xi32, #tpu.memory_space<vmem>> -> memref<128xi32, #tpu.memory_space<vmem>>
      %dma_wait3A_601 = arith.constant 0 : i32
      %dma_wait3A_602 = arith.constant 0 : i32
      %dma_wait3A_603 = tpu.memref_slice %arg6[%dma_wait3A_601, %dma_wait3A_602] : memref<22x128xf32, #tpu.memory_space<vmem_shared>> -> memref<22x128xf32, #tpu.memory_space<vmem_shared>>
      tpu.wait_indirect_dma semaphore(%arg8 : memref<!tpu.dma_semaphore, #tpu.memory_space<semaphore_mem>>) src(%dma_wait3A_603 : memref<22x128xf32, #tpu.memory_space<vmem_shared>>) dst(%dma_wait3A_598 : memref<128x128xf32, #tpu.memory_space<vmem>>)
      %mul3A_604 = arith.constant 128 : i32
      %mul3A_605 = arith.muli %add3A_593, %mul3A_604 : i32
      %add3A_606 = arith.addi %mul3A_2, %mul3A_605 : i32
      %dma_start3A_607 = arith.constant 3 : i32
      %dma_start3A_608 = arith.constant 0 : i32
      %dma_start3A_609 = arith.constant 0 : i32
      %dma_start3A_610 = tpu.memref_slice %arg7[%dma_start3A_607, %dma_start3A_608, %dma_start3A_609] : memref<4x128x128xf32, #tpu.memory_space<vmem>> -> memref<1x128x128xf32, #tpu.memory_space<vmem>>
      %dma_start3A_611 = tpu.memref_squeeze %dma_start3A_610 : memref<1x128x128xf32, #tpu.memory_space<vmem>> -> memref<128x128xf32, #tpu.memory_space<vmem>>
      %dma_start3A_612 = arith.constant 0 : i32
      %dma_start3A_613 = tpu.memref_slice %arg4[%add3A_606, %dma_start3A_612] : memref<262144x128xf32, #tpu.memory_space<hbm>> -> memref<128x128xf32, #tpu.memory_space<hbm>>
      %dma_start3A_614 = arith.constant 0 : i32
      %dma_start3A_615 = tpu.memref_slice %arg4[%add3A_606, %dma_start3A_614] : memref<262144x128xf32, #tpu.memory_space<hbm>> -> memref<128x128xf32, #tpu.memory_space<hbm>>
      %dma_start3A_616 = arith.constant 0 : i32
      %dma_start3A_617 = arith.constant 0 : i32
      %dma_start3A_618 = tpu.memref_slice %arg7[%dma_start3A_607, %dma_start3A_616, %dma_start3A_617] : memref<4x128x128xf32, #tpu.memory_space<vmem>> -> memref<1x128x128xf32, #tpu.memory_space<vmem>>
      %dma_start3A_619 = tpu.memref_squeeze %dma_start3A_618 : memref<1x128x128xf32, #tpu.memory_space<vmem>> -> memref<128x128xf32, #tpu.memory_space<vmem>>
      tpu.enqueue_dma source(%dma_start3A_619 : memref<128x128xf32, #tpu.memory_space<vmem>>) target(%dma_start3A_615 : memref<128x128xf32, #tpu.memory_space<hbm>>) target_semaphore(%arg12 : memref<!tpu.dma_semaphore, #tpu.memory_space<semaphore_mem>>)
      %dma_wait3A_620 = arith.constant 2 : i32
      %dma_wait3A_621 = arith.constant 0 : i32
      %dma_wait3A_622 = arith.constant 0 : i32
      %dma_wait3A_623 = tpu.memref_slice %arg7[%dma_wait3A_620, %dma_wait3A_621, %dma_wait3A_622] : memref<4x128x128xf32, #tpu.memory_space<vmem>> -> memref<1x128x128xf32, #tpu.memory_space<vmem>>
      %dma_wait3A_624 = tpu.memref_squeeze %dma_wait3A_623 : memref<1x128x128xf32, #tpu.memory_space<vmem>> -> memref<128x128xf32, #tpu.memory_space<vmem>>
      %dma_wait3A_625 = arith.constant 0 : i32
      %dma_wait3A_626 = arith.constant 0 : i32
      %dma_wait3A_627 = tpu.memref_slice %arg4[%dma_wait3A_625, %dma_wait3A_626] : memref<262144x128xf32, #tpu.memory_space<hbm>> -> memref<128x128xf32, #tpu.memory_space<hbm>>
      %dma_wait3A_628 = arith.constant 0 : i32
      %dma_wait3A_629 = arith.constant 0 : i32
      %dma_wait3A_630 = tpu.memref_slice %arg4[%dma_wait3A_628, %dma_wait3A_629] : memref<262144x128xf32, #tpu.memory_space<hbm>> -> memref<128x128xf32, #tpu.memory_space<hbm>>
      %dma_wait3A_631 = arith.constant 0 : i32
      %dma_wait3A_632 = arith.constant 0 : i32
      %dma_wait3A_633 = tpu.memref_slice %arg7[%dma_wait3A_620, %dma_wait3A_631, %dma_wait3A_632] : memref<4x128x128xf32, #tpu.memory_space<vmem>> -> memref<1x128x128xf32, #tpu.memory_space<vmem>>
      %dma_wait3A_634 = tpu.memref_squeeze %dma_wait3A_633 : memref<1x128x128xf32, #tpu.memory_space<vmem>> -> memref<128x128xf32, #tpu.memory_space<vmem>>
      tpu.wait_dma2 semaphore(%arg11 : memref<!tpu.dma_semaphore, #tpu.memory_space<semaphore_mem>>) src(%dma_wait3A_634 : memref<128x128xf32, #tpu.memory_space<vmem>>) dst(%dma_wait3A_630 : memref<128x128xf32, #tpu.memory_space<hbm>>)
      %add3A_635 = arith.constant 4 : i32
      %add3A_636 = arith.addi %add3A_593, %add3A_635 : i32
      %sub3A_637 = arith.constant 1 : i32
      %sub3A_638 = arith.subi %add3A_636, %sub3A_637 : i32
      %mul3A_639 = arith.constant 128 : i32
      %mul3A_640 = arith.muli %sub3A_638, %mul3A_639 : i32
      %dma_start3A_641 = arith.constant 2 : i32
      %dma_start3A_642 = arith.constant 0 : i32
      %dma_start3A_643 = arith.constant 0 : i32
      %dma_start3A_644 = tpu.memref_slice %arg7[%dma_start3A_641, %dma_start3A_642, %dma_start3A_643] : memref<4x128x128xf32, #tpu.memory_space<vmem>> -> memref<1x128x128xf32, #tpu.memory_space<vmem>>
      %dma_start3A_645 = tpu.memref_squeeze %dma_start3A_644 : memref<1x128x128xf32, #tpu.memory_space<vmem>> -> memref<128x128xf32, #tpu.memory_space<vmem>>
      %dma_start3A_646 = tpu.memref_slice %arg5[%mul3A_640] : memref<8192xi32, #tpu.memory_space<vmem>> -> memref<128xi32, #tpu.memory_space<vmem>>
      %dma_start3A_647 = arith.constant 0 : i32
      %dma_start3A_648 = arith.constant 0 : i32
      %dma_start3A_649 = tpu.memref_slice %arg6[%dma_start3A_647, %dma_start3A_648] : memref<22x128xf32, #tpu.memory_space<vmem_shared>> -> memref<22x128xf32, #tpu.memory_space<vmem_shared>>
      tpu.enqueue_indirect_dma source(%dma_start3A_649 : memref<22x128xf32, #tpu.memory_space<vmem_shared>>) target(%dma_start3A_645 : memref<128x128xf32, #tpu.memory_space<vmem>>) offsets(%dma_start3A_646 : memref<128xi32, #tpu.memory_space<vmem>>) semaphore(%arg8 : memref<!tpu.dma_semaphore, #tpu.memory_space<semaphore_mem>>)
      scf.yield %scan3A_409 : i32
    }
    %scan3A_223 = arith.constant 14 : i32
    %dma_wait3A_224 = arith.constant 0 : i32
    %dma_wait3A_225 = arith.constant 0 : i32
    %dma_wait3A_226 = arith.constant 0 : i32
    %dma_wait3A_227 = tpu.memref_slice %arg7[%dma_wait3A_224, %dma_wait3A_225, %dma_wait3A_226] : memref<4x128x128xf32, #tpu.memory_space<vmem>> -> memref<1x128x128xf32, #tpu.memory_space<vmem>>
    %dma_wait3A_228 = tpu.memref_squeeze %dma_wait3A_227 : memref<1x128x128xf32, #tpu.memory_space<vmem>> -> memref<128x128xf32, #tpu.memory_space<vmem>>
    %dma_wait3A_229 = arith.constant 0 : i32
    %dma_wait3A_230 = tpu.memref_slice %arg5[%dma_wait3A_229] : memref<8192xi32, #tpu.memory_space<vmem>> -> memref<128xi32, #tpu.memory_space<vmem>>
    %dma_wait3A_231 = arith.constant 0 : i32
    %dma_wait3A_232 = arith.constant 0 : i32
    %dma_wait3A_233 = tpu.memref_slice %arg6[%dma_wait3A_231, %dma_wait3A_232] : memref<22x128xf32, #tpu.memory_space<vmem_shared>> -> memref<22x128xf32, #tpu.memory_space<vmem_shared>>
    tpu.wait_indirect_dma semaphore(%arg8 : memref<!tpu.dma_semaphore, #tpu.memory_space<semaphore_mem>>) src(%dma_wait3A_233 : memref<22x128xf32, #tpu.memory_space<vmem_shared>>) dst(%dma_wait3A_228 : memref<128x128xf32, #tpu.memory_space<vmem>>)
    %add3A_234 = arith.constant 7680 : i32
    %add3A_235 = arith.addi %mul3A_2, %add3A_234 : i32
    %dma_start3A_236 = arith.constant 0 : i32
    %dma_start3A_237 = arith.constant 0 : i32
    %dma_start3A_238 = arith.constant 0 : i32
    %dma_start3A_239 = tpu.memref_slice %arg7[%dma_start3A_236, %dma_start3A_237, %dma_start3A_238] : memref<4x128x128xf32, #tpu.memory_space<vmem>> -> memref<1x128x128xf32, #tpu.memory_space<vmem>>
    %dma_start3A_240 = tpu.memref_squeeze %dma_start3A_239 : memref<1x128x128xf32, #tpu.memory_space<vmem>> -> memref<128x128xf32, #tpu.memory_space<vmem>>
    %dma_start3A_241 = arith.constant 0 : i32
    %dma_start3A_242 = tpu.memref_slice %arg4[%add3A_235, %dma_start3A_241] : memref<262144x128xf32, #tpu.memory_space<hbm>> -> memref<128x128xf32, #tpu.memory_space<hbm>>
    %dma_start3A_243 = arith.constant 0 : i32
    %dma_start3A_244 = tpu.memref_slice %arg4[%add3A_235, %dma_start3A_243] : memref<262144x128xf32, #tpu.memory_space<hbm>> -> memref<128x128xf32, #tpu.memory_space<hbm>>
    %dma_start3A_245 = arith.constant 0 : i32
    %dma_start3A_246 = arith.constant 0 : i32
    %dma_start3A_247 = tpu.memref_slice %arg7[%dma_start3A_236, %dma_start3A_245, %dma_start3A_246] : memref<4x128x128xf32, #tpu.memory_space<vmem>> -> memref<1x128x128xf32, #tpu.memory_space<vmem>>
    %dma_start3A_248 = tpu.memref_squeeze %dma_start3A_247 : memref<1x128x128xf32, #tpu.memory_space<vmem>> -> memref<128x128xf32, #tpu.memory_space<vmem>>
    tpu.enqueue_dma source(%dma_start3A_248 : memref<128x128xf32, #tpu.memory_space<vmem>>) target(%dma_start3A_244 : memref<128x128xf32, #tpu.memory_space<hbm>>) target_semaphore(%arg9 : memref<!tpu.dma_semaphore, #tpu.memory_space<semaphore_mem>>)
    %dma_wait3A_249 = arith.constant 3 : i32
    %dma_wait3A_250 = arith.constant 0 : i32
    %dma_wait3A_251 = arith.constant 0 : i32
    %dma_wait3A_252 = tpu.memref_slice %arg7[%dma_wait3A_249, %dma_wait3A_250, %dma_wait3A_251] : memref<4x128x128xf32, #tpu.memory_space<vmem>> -> memref<1x128x128xf32, #tpu.memory_space<vmem>>
    %dma_wait3A_253 = tpu.memref_squeeze %dma_wait3A_252 : memref<1x128x128xf32, #tpu.memory_space<vmem>> -> memref<128x128xf32, #tpu.memory_space<vmem>>
    %dma_wait3A_254 = arith.constant 0 : i32
    %dma_wait3A_255 = arith.constant 0 : i32
    %dma_wait3A_256 = tpu.memref_slice %arg4[%dma_wait3A_254, %dma_wait3A_255] : memref<262144x128xf32, #tpu.memory_space<hbm>> -> memref<128x128xf32, #tpu.memory_space<hbm>>
    %dma_wait3A_257 = arith.constant 0 : i32
    %dma_wait3A_258 = arith.constant 0 : i32
    %dma_wait3A_259 = tpu.memref_slice %arg4[%dma_wait3A_257, %dma_wait3A_258] : memref<262144x128xf32, #tpu.memory_space<hbm>> -> memref<128x128xf32, #tpu.memory_space<hbm>>
    %dma_wait3A_260 = arith.constant 0 : i32
    %dma_wait3A_261 = arith.constant 0 : i32
    %dma_wait3A_262 = tpu.memref_slice %arg7[%dma_wait3A_249, %dma_wait3A_260, %dma_wait3A_261] : memref<4x128x128xf32, #tpu.memory_space<vmem>> -> memref<1x128x128xf32, #tpu.memory_space<vmem>>
    %dma_wait3A_263 = tpu.memref_squeeze %dma_wait3A_262 : memref<1x128x128xf32, #tpu.memory_space<vmem>> -> memref<128x128xf32, #tpu.memory_space<vmem>>
    tpu.wait_dma2 semaphore(%arg12 : memref<!tpu.dma_semaphore, #tpu.memory_space<semaphore_mem>>) src(%dma_wait3A_263 : memref<128x128xf32, #tpu.memory_space<vmem>>) dst(%dma_wait3A_259 : memref<128x128xf32, #tpu.memory_space<hbm>>)
    %dma_start3A_264 = arith.constant 3 : i32
    %dma_start3A_265 = arith.constant 0 : i32
    %dma_start3A_266 = arith.constant 0 : i32
    %dma_start3A_267 = tpu.memref_slice %arg7[%dma_start3A_264, %dma_start3A_265, %dma_start3A_266] : memref<4x128x128xf32, #tpu.memory_space<vmem>> -> memref<1x128x128xf32, #tpu.memory_space<vmem>>
    %dma_start3A_268 = tpu.memref_squeeze %dma_start3A_267 : memref<1x128x128xf32, #tpu.memory_space<vmem>> -> memref<128x128xf32, #tpu.memory_space<vmem>>
    %dma_start3A_269 = arith.constant 8064 : i32
    %dma_start3A_270 = tpu.memref_slice %arg5[%dma_start3A_269] : memref<8192xi32, #tpu.memory_space<vmem>> -> memref<128xi32, #tpu.memory_space<vmem>>
    %dma_start3A_271 = arith.constant 0 : i32
    %dma_start3A_272 = arith.constant 0 : i32
    %dma_start3A_273 = tpu.memref_slice %arg6[%dma_start3A_271, %dma_start3A_272] : memref<22x128xf32, #tpu.memory_space<vmem_shared>> -> memref<22x128xf32, #tpu.memory_space<vmem_shared>>
    tpu.enqueue_indirect_dma source(%dma_start3A_273 : memref<22x128xf32, #tpu.memory_space<vmem_shared>>) target(%dma_start3A_268 : memref<128x128xf32, #tpu.memory_space<vmem>>) offsets(%dma_start3A_270 : memref<128xi32, #tpu.memory_space<vmem>>) semaphore(%arg8 : memref<!tpu.dma_semaphore, #tpu.memory_space<semaphore_mem>>)
    %dma_wait3A_274 = arith.constant 1 : i32
    %dma_wait3A_275 = arith.constant 0 : i32
    %dma_wait3A_276 = arith.constant 0 : i32
    %dma_wait3A_277 = tpu.memref_slice %arg7[%dma_wait3A_274, %dma_wait3A_275, %dma_wait3A_276] : memref<4x128x128xf32, #tpu.memory_space<vmem>> -> memref<1x128x128xf32, #tpu.memory_space<vmem>>
    %dma_wait3A_278 = tpu.memref_squeeze %dma_wait3A_277 : memref<1x128x128xf32, #tpu.memory_space<vmem>> -> memref<128x128xf32, #tpu.memory_space<vmem>>
    %dma_wait3A_279 = arith.constant 0 : i32
    %dma_wait3A_280 = tpu.memref_slice %arg5[%dma_wait3A_279] : memref<8192xi32, #tpu.memory_space<vmem>> -> memref<128xi32, #tpu.memory_space<vmem>>
    %dma_wait3A_281 = arith.constant 0 : i32
    %dma_wait3A_282 = arith.constant 0 : i32
    %dma_wait3A_283 = tpu.memref_slice %arg6[%dma_wait3A_281, %dma_wait3A_282] : memref<22x128xf32, #tpu.memory_space<vmem_shared>> -> memref<22x128xf32, #tpu.memory_space<vmem_shared>>
    tpu.wait_indirect_dma semaphore(%arg8 : memref<!tpu.dma_semaphore, #tpu.memory_space<semaphore_mem>>) src(%dma_wait3A_283 : memref<22x128xf32, #tpu.memory_space<vmem_shared>>) dst(%dma_wait3A_278 : memref<128x128xf32, #tpu.memory_space<vmem>>)
    %add3A_284 = arith.constant 7808 : i32
    %add3A_285 = arith.addi %mul3A_2, %add3A_284 : i32
    %dma_start3A_286 = arith.constant 1 : i32
    %dma_start3A_287 = arith.constant 0 : i32
    %dma_start3A_288 = arith.constant 0 : i32
    %dma_start3A_289 = tpu.memref_slice %arg7[%dma_start3A_286, %dma_start3A_287, %dma_start3A_288] : memref<4x128x128xf32, #tpu.memory_space<vmem>> -> memref<1x128x128xf32, #tpu.memory_space<vmem>>
    %dma_start3A_290 = tpu.memref_squeeze %dma_start3A_289 : memref<1x128x128xf32, #tpu.memory_space<vmem>> -> memref<128x128xf32, #tpu.memory_space<vmem>>
    %dma_start3A_291 = arith.constant 0 : i32
    %dma_start3A_292 = tpu.memref_slice %arg4[%add3A_285, %dma_start3A_291] : memref<262144x128xf32, #tpu.memory_space<hbm>> -> memref<128x128xf32, #tpu.memory_space<hbm>>
    %dma_start3A_293 = arith.constant 0 : i32
    %dma_start3A_294 = tpu.memref_slice %arg4[%add3A_285, %dma_start3A_293] : memref<262144x128xf32, #tpu.memory_space<hbm>> -> memref<128x128xf32, #tpu.memory_space<hbm>>
    %dma_start3A_295 = arith.constant 0 : i32
    %dma_start3A_296 = arith.constant 0 : i32
    %dma_start3A_297 = tpu.memref_slice %arg7[%dma_start3A_286, %dma_start3A_295, %dma_start3A_296] : memref<4x128x128xf32, #tpu.memory_space<vmem>> -> memref<1x128x128xf32, #tpu.memory_space<vmem>>
    %dma_start3A_298 = tpu.memref_squeeze %dma_start3A_297 : memref<1x128x128xf32, #tpu.memory_space<vmem>> -> memref<128x128xf32, #tpu.memory_space<vmem>>
    tpu.enqueue_dma source(%dma_start3A_298 : memref<128x128xf32, #tpu.memory_space<vmem>>) target(%dma_start3A_294 : memref<128x128xf32, #tpu.memory_space<hbm>>) target_semaphore(%arg10 : memref<!tpu.dma_semaphore, #tpu.memory_space<semaphore_mem>>)
    %dma_wait3A_299 = arith.constant 0 : i32
    %dma_wait3A_300 = arith.constant 0 : i32
    %dma_wait3A_301 = arith.constant 0 : i32
    %dma_wait3A_302 = tpu.memref_slice %arg7[%dma_wait3A_299, %dma_wait3A_300, %dma_wait3A_301] : memref<4x128x128xf32, #tpu.memory_space<vmem>> -> memref<1x128x128xf32, #tpu.memory_space<vmem>>
    %dma_wait3A_303 = tpu.memref_squeeze %dma_wait3A_302 : memref<1x128x128xf32, #tpu.memory_space<vmem>> -> memref<128x128xf32, #tpu.memory_space<vmem>>
    %dma_wait3A_304 = arith.constant 0 : i32
    %dma_wait3A_305 = arith.constant 0 : i32
    %dma_wait3A_306 = tpu.memref_slice %arg4[%dma_wait3A_304, %dma_wait3A_305] : memref<262144x128xf32, #tpu.memory_space<hbm>> -> memref<128x128xf32, #tpu.memory_space<hbm>>
    %dma_wait3A_307 = arith.constant 0 : i32
    %dma_wait3A_308 = arith.constant 0 : i32
    %dma_wait3A_309 = tpu.memref_slice %arg4[%dma_wait3A_307, %dma_wait3A_308] : memref<262144x128xf32, #tpu.memory_space<hbm>> -> memref<128x128xf32, #tpu.memory_space<hbm>>
    %dma_wait3A_310 = arith.constant 0 : i32
    %dma_wait3A_311 = arith.constant 0 : i32
    %dma_wait3A_312 = tpu.memref_slice %arg7[%dma_wait3A_299, %dma_wait3A_310, %dma_wait3A_311] : memref<4x128x128xf32, #tpu.memory_space<vmem>> -> memref<1x128x128xf32, #tpu.memory_space<vmem>>
    %dma_wait3A_313 = tpu.memref_squeeze %dma_wait3A_312 : memref<1x128x128xf32, #tpu.memory_space<vmem>> -> memref<128x128xf32, #tpu.memory_space<vmem>>
    tpu.wait_dma2 semaphore(%arg9 : memref<!tpu.dma_semaphore, #tpu.memory_space<semaphore_mem>>) src(%dma_wait3A_313 : memref<128x128xf32, #tpu.memory_space<vmem>>) dst(%dma_wait3A_309 : memref<128x128xf32, #tpu.memory_space<hbm>>)
    %dma_wait3A_314 = arith.constant 2 : i32
    %dma_wait3A_315 = arith.constant 0 : i32
    %dma_wait3A_316 = arith.constant 0 : i32
    %dma_wait3A_317 = tpu.memref_slice %arg7[%dma_wait3A_314, %dma_wait3A_315, %dma_wait3A_316] : memref<4x128x128xf32, #tpu.memory_space<vmem>> -> memref<1x128x128xf32, #tpu.memory_space<vmem>>
    %dma_wait3A_318 = tpu.memref_squeeze %dma_wait3A_317 : memref<1x128x128xf32, #tpu.memory_space<vmem>> -> memref<128x128xf32, #tpu.memory_space<vmem>>
    %dma_wait3A_319 = arith.constant 0 : i32
    %dma_wait3A_320 = tpu.memref_slice %arg5[%dma_wait3A_319] : memref<8192xi32, #tpu.memory_space<vmem>> -> memref<128xi32, #tpu.memory_space<vmem>>
    %dma_wait3A_321 = arith.constant 0 : i32
    %dma_wait3A_322 = arith.constant 0 : i32
    %dma_wait3A_323 = tpu.memref_slice %arg6[%dma_wait3A_321, %dma_wait3A_322] : memref<22x128xf32, #tpu.memory_space<vmem_shared>> -> memref<22x128xf32, #tpu.memory_space<vmem_shared>>
    tpu.wait_indirect_dma semaphore(%arg8 : memref<!tpu.dma_semaphore, #tpu.memory_space<semaphore_mem>>) src(%dma_wait3A_323 : memref<22x128xf32, #tpu.memory_space<vmem_shared>>) dst(%dma_wait3A_318 : memref<128x128xf32, #tpu.memory_space<vmem>>)
    %add3A_324 = arith.constant 7936 : i32
    %add3A_325 = arith.addi %mul3A_2, %add3A_324 : i32
    %dma_start3A_326 = arith.constant 2 : i32
    %dma_start3A_327 = arith.constant 0 : i32
    %dma_start3A_328 = arith.constant 0 : i32
    %dma_start3A_329 = tpu.memref_slice %arg7[%dma_start3A_326, %dma_start3A_327, %dma_start3A_328] : memref<4x128x128xf32, #tpu.memory_space<vmem>> -> memref<1x128x128xf32, #tpu.memory_space<vmem>>
    %dma_start3A_330 = tpu.memref_squeeze %dma_start3A_329 : memref<1x128x128xf32, #tpu.memory_space<vmem>> -> memref<128x128xf32, #tpu.memory_space<vmem>>
    %dma_start3A_331 = arith.constant 0 : i32
    %dma_start3A_332 = tpu.memref_slice %arg4[%add3A_325, %dma_start3A_331] : memref<262144x128xf32, #tpu.memory_space<hbm>> -> memref<128x128xf32, #tpu.memory_space<hbm>>
    %dma_start3A_333 = arith.constant 0 : i32
    %dma_start3A_334 = tpu.memref_slice %arg4[%add3A_325, %dma_start3A_333] : memref<262144x128xf32, #tpu.memory_space<hbm>> -> memref<128x128xf32, #tpu.memory_space<hbm>>
    %dma_start3A_335 = arith.constant 0 : i32
    %dma_start3A_336 = arith.constant 0 : i32
    %dma_start3A_337 = tpu.memref_slice %arg7[%dma_start3A_326, %dma_start3A_335, %dma_start3A_336] : memref<4x128x128xf32, #tpu.memory_space<vmem>> -> memref<1x128x128xf32, #tpu.memory_space<vmem>>
    %dma_start3A_338 = tpu.memref_squeeze %dma_start3A_337 : memref<1x128x128xf32, #tpu.memory_space<vmem>> -> memref<128x128xf32, #tpu.memory_space<vmem>>
    tpu.enqueue_dma source(%dma_start3A_338 : memref<128x128xf32, #tpu.memory_space<vmem>>) target(%dma_start3A_334 : memref<128x128xf32, #tpu.memory_space<hbm>>) target_semaphore(%arg11 : memref<!tpu.dma_semaphore, #tpu.memory_space<semaphore_mem>>)
    %dma_wait3A_339 = arith.constant 1 : i32
    %dma_wait3A_340 = arith.constant 0 : i32
    %dma_wait3A_341 = arith.constant 0 : i32
    %dma_wait3A_342 = tpu.memref_slice %arg7[%dma_wait3A_339, %dma_wait3A_340, %dma_wait3A_341] : memref<4x128x128xf32, #tpu.memory_space<vmem>> -> memref<1x128x128xf32, #tpu.memory_space<vmem>>
    %dma_wait3A_343 = tpu.memref_squeeze %dma_wait3A_342 : memref<1x128x128xf32, #tpu.memory_space<vmem>> -> memref<128x128xf32, #tpu.memory_space<vmem>>
    %dma_wait3A_344 = arith.constant 0 : i32
    %dma_wait3A_345 = arith.constant 0 : i32
    %dma_wait3A_346 = tpu.memref_slice %arg4[%dma_wait3A_344, %dma_wait3A_345] : memref<262144x128xf32, #tpu.memory_space<hbm>> -> memref<128x128xf32, #tpu.memory_space<hbm>>
    %dma_wait3A_347 = arith.constant 0 : i32
    %dma_wait3A_348 = arith.constant 0 : i32
    %dma_wait3A_349 = tpu.memref_slice %arg4[%dma_wait3A_347, %dma_wait3A_348] : memref<262144x128xf32, #tpu.memory_space<hbm>> -> memref<128x128xf32, #tpu.memory_space<hbm>>
    %dma_wait3A_350 = arith.constant 0 : i32
    %dma_wait3A_351 = arith.constant 0 : i32
    %dma_wait3A_352 = tpu.memref_slice %arg7[%dma_wait3A_339, %dma_wait3A_350, %dma_wait3A_351] : memref<4x128x128xf32, #tpu.memory_space<vmem>> -> memref<1x128x128xf32, #tpu.memory_space<vmem>>
    %dma_wait3A_353 = tpu.memref_squeeze %dma_wait3A_352 : memref<1x128x128xf32, #tpu.memory_space<vmem>> -> memref<128x128xf32, #tpu.memory_space<vmem>>
    tpu.wait_dma2 semaphore(%arg10 : memref<!tpu.dma_semaphore, #tpu.memory_space<semaphore_mem>>) src(%dma_wait3A_353 : memref<128x128xf32, #tpu.memory_space<vmem>>) dst(%dma_wait3A_349 : memref<128x128xf32, #tpu.memory_space<hbm>>)
    %dma_wait3A_354 = arith.constant 3 : i32
    %dma_wait3A_355 = arith.constant 0 : i32
    %dma_wait3A_356 = arith.constant 0 : i32
    %dma_wait3A_357 = tpu.memref_slice %arg7[%dma_wait3A_354, %dma_wait3A_355, %dma_wait3A_356] : memref<4x128x128xf32, #tpu.memory_space<vmem>> -> memref<1x128x128xf32, #tpu.memory_space<vmem>>
    %dma_wait3A_358 = tpu.memref_squeeze %dma_wait3A_357 : memref<1x128x128xf32, #tpu.memory_space<vmem>> -> memref<128x128xf32, #tpu.memory_space<vmem>>
    %dma_wait3A_359 = arith.constant 0 : i32
    %dma_wait3A_360 = tpu.memref_slice %arg5[%dma_wait3A_359] : memref<8192xi32, #tpu.memory_space<vmem>> -> memref<128xi32, #tpu.memory_space<vmem>>
    %dma_wait3A_361 = arith.constant 0 : i32
    %dma_wait3A_362 = arith.constant 0 : i32
    %dma_wait3A_363 = tpu.memref_slice %arg6[%dma_wait3A_361, %dma_wait3A_362] : memref<22x128xf32, #tpu.memory_space<vmem_shared>> -> memref<22x128xf32, #tpu.memory_space<vmem_shared>>
    tpu.wait_indirect_dma semaphore(%arg8 : memref<!tpu.dma_semaphore, #tpu.memory_space<semaphore_mem>>) src(%dma_wait3A_363 : memref<22x128xf32, #tpu.memory_space<vmem_shared>>) dst(%dma_wait3A_358 : memref<128x128xf32, #tpu.memory_space<vmem>>)
    %add3A_364 = arith.constant 8064 : i32
    %add3A_365 = arith.addi %mul3A_2, %add3A_364 : i32
    %dma_start3A_366 = arith.constant 3 : i32
    %dma_start3A_367 = arith.constant 0 : i32
    %dma_start3A_368 = arith.constant 0 : i32
    %dma_start3A_369 = tpu.memref_slice %arg7[%dma_start3A_366, %dma_start3A_367, %dma_start3A_368] : memref<4x128x128xf32, #tpu.memory_space<vmem>> -> memref<1x128x128xf32, #tpu.memory_space<vmem>>
    %dma_start3A_370 = tpu.memref_squeeze %dma_start3A_369 : memref<1x128x128xf32, #tpu.memory_space<vmem>> -> memref<128x128xf32, #tpu.memory_space<vmem>>
    %dma_start3A_371 = arith.constant 0 : i32
    %dma_start3A_372 = tpu.memref_slice %arg4[%add3A_365, %dma_start3A_371] : memref<262144x128xf32, #tpu.memory_space<hbm>> -> memref<128x128xf32, #tpu.memory_space<hbm>>
    %dma_start3A_373 = arith.constant 0 : i32
    %dma_start3A_374 = tpu.memref_slice %arg4[%add3A_365, %dma_start3A_373] : memref<262144x128xf32, #tpu.memory_space<hbm>> -> memref<128x128xf32, #tpu.memory_space<hbm>>
    %dma_start3A_375 = arith.constant 0 : i32
    %dma_start3A_376 = arith.constant 0 : i32
    %dma_start3A_377 = tpu.memref_slice %arg7[%dma_start3A_366, %dma_start3A_375, %dma_start3A_376] : memref<4x128x128xf32, #tpu.memory_space<vmem>> -> memref<1x128x128xf32, #tpu.memory_space<vmem>>
    %dma_start3A_378 = tpu.memref_squeeze %dma_start3A_377 : memref<1x128x128xf32, #tpu.memory_space<vmem>> -> memref<128x128xf32, #tpu.memory_space<vmem>>
    tpu.enqueue_dma source(%dma_start3A_378 : memref<128x128xf32, #tpu.memory_space<vmem>>) target(%dma_start3A_374 : memref<128x128xf32, #tpu.memory_space<hbm>>) target_semaphore(%arg12 : memref<!tpu.dma_semaphore, #tpu.memory_space<semaphore_mem>>)
    %dma_wait3A_379 = arith.constant 2 : i32
    %dma_wait3A_380 = arith.constant 0 : i32
    %dma_wait3A_381 = arith.constant 0 : i32
    %dma_wait3A_382 = tpu.memref_slice %arg7[%dma_wait3A_379, %dma_wait3A_380, %dma_wait3A_381] : memref<4x128x128xf32, #tpu.memory_space<vmem>> -> memref<1x128x128xf32, #tpu.memory_space<vmem>>
    %dma_wait3A_383 = tpu.memref_squeeze %dma_wait3A_382 : memref<1x128x128xf32, #tpu.memory_space<vmem>> -> memref<128x128xf32, #tpu.memory_space<vmem>>
    %dma_wait3A_384 = arith.constant 0 : i32
    %dma_wait3A_385 = arith.constant 0 : i32
    %dma_wait3A_386 = tpu.memref_slice %arg4[%dma_wait3A_384, %dma_wait3A_385] : memref<262144x128xf32, #tpu.memory_space<hbm>> -> memref<128x128xf32, #tpu.memory_space<hbm>>
    %dma_wait3A_387 = arith.constant 0 : i32
    %dma_wait3A_388 = arith.constant 0 : i32
    %dma_wait3A_389 = tpu.memref_slice %arg4[%dma_wait3A_387, %dma_wait3A_388] : memref<262144x128xf32, #tpu.memory_space<hbm>> -> memref<128x128xf32, #tpu.memory_space<hbm>>
    %dma_wait3A_390 = arith.constant 0 : i32
    %dma_wait3A_391 = arith.constant 0 : i32
    %dma_wait3A_392 = tpu.memref_slice %arg7[%dma_wait3A_379, %dma_wait3A_390, %dma_wait3A_391] : memref<4x128x128xf32, #tpu.memory_space<vmem>> -> memref<1x128x128xf32, #tpu.memory_space<vmem>>
    %dma_wait3A_393 = tpu.memref_squeeze %dma_wait3A_392 : memref<1x128x128xf32, #tpu.memory_space<vmem>> -> memref<128x128xf32, #tpu.memory_space<vmem>>
    tpu.wait_dma2 semaphore(%arg11 : memref<!tpu.dma_semaphore, #tpu.memory_space<semaphore_mem>>) src(%dma_wait3A_393 : memref<128x128xf32, #tpu.memory_space<vmem>>) dst(%dma_wait3A_389 : memref<128x128xf32, #tpu.memory_space<hbm>>)
    %dma_wait3A_394 = arith.constant 3 : i32
    %dma_wait3A_395 = arith.constant 0 : i32
    %dma_wait3A_396 = arith.constant 0 : i32
    %dma_wait3A_397 = tpu.memref_slice %arg7[%dma_wait3A_394, %dma_wait3A_395, %dma_wait3A_396] : memref<4x128x128xf32, #tpu.memory_space<vmem>> -> memref<1x128x128xf32, #tpu.memory_space<vmem>>
    %dma_wait3A_398 = tpu.memref_squeeze %dma_wait3A_397 : memref<1x128x128xf32, #tpu.memory_space<vmem>> -> memref<128x128xf32, #tpu.memory_space<vmem>>
    %dma_wait3A_399 = arith.constant 0 : i32
    %dma_wait3A_400 = arith.constant 0 : i32
    %dma_wait3A_401 = tpu.memref_slice %arg4[%dma_wait3A_399, %dma_wait3A_400] : memref<262144x128xf32, #tpu.memory_space<hbm>> -> memref<128x128xf32, #tpu.memory_space<hbm>>
    %dma_wait3A_402 = arith.constant 0 : i32
    %dma_wait3A_403 = arith.constant 0 : i32
    %dma_wait3A_404 = tpu.memref_slice %arg4[%dma_wait3A_402, %dma_wait3A_403] : memref<262144x128xf32, #tpu.memory_space<hbm>> -> memref<128x128xf32, #tpu.memory_space<hbm>>
    %dma_wait3A_405 = arith.constant 0 : i32
    %dma_wait3A_406 = arith.constant 0 : i32
    %dma_wait3A_407 = tpu.memref_slice %arg7[%dma_wait3A_394, %dma_wait3A_405, %dma_wait3A_406] : memref<4x128x128xf32, #tpu.memory_space<vmem>> -> memref<1x128x128xf32, #tpu.memory_space<vmem>>
    %dma_wait3A_408 = tpu.memref_squeeze %dma_wait3A_407 : memref<1x128x128xf32, #tpu.memory_space<vmem>> -> memref<128x128xf32, #tpu.memory_space<vmem>>
    tpu.wait_dma2 semaphore(%arg12 : memref<!tpu.dma_semaphore, #tpu.memory_space<semaphore_mem>>) src(%dma_wait3A_408 : memref<128x128xf32, #tpu.memory_space<vmem>>) dst(%dma_wait3A_404 : memref<128x128xf32, #tpu.memory_space<hbm>>)
    return
  }
}

</mosaic_0001>

<sc_bundles>
// kernel: _sc_gather.3.cloned.1.call-start
scs
__scs_entry_jumppad:
0x0: {  	(pc) =	sbr.rel $0x88, $3  }
0x1: {  	(tag) =	ssettag $0x0;
	lr =	simm.s32 $0x1  }
0x2: {  	[smem:$0x3F9F] =	sst lr;
	_ =	strace $0xD0000000  }
0x3: {  	_ = 	snop  }
0x4: {  	_ = 	snop  }
0x5: {  	_ = 	snop  }
0x6: {  	_ = 	snop  }
0x7: {  	_ = 	snop  }
__scs_overlays_trampoline_lowered:
0x8: {  	[smem:$0x3FAE] =	sst s0  }
0x9: {  	[smem:$0x3FAF] =	sst s1  }
0xa: {  	[smem:$0x3FB0] =	sst s2  }
0xb: {  	[smem:$0x3FB1] =	sst s3  }
0xc: {  	[smem:$0x3FB2] =	sst s4  }
0xd: {  	[smem:$0x3FB3] =	sst s5  }
0xe: {  	[smem:$0x3FB4] =	sst s6  }
0xf: {  	[smem:$0x3FB5] =	sst s7  }
0x10: {  	[smem:$0x3FB6] =	sst s8  }
0x11: {  	[smem:$0x3FB7] =	sst s9;
	s0 =	simm.s32 @!p0 $0x0  }
0x12: {  	s1 =	sld [smem:$0x3F9D];
	s0 =	simm.s32 @p0 $0x1  }
0x13: {  	[smem:$0x3FB8] =	sst s0;
	s0 =	simm.s32 @!p1 $0x0  }
0x14: {  	s2 =	sld [smem:$0x3F9C];
	s0 =	simm.s32 @p1 $0x1  }
0x15: {  	[smem:$0x3FB9] =	sst s0;
	s0 =	simm.s32 @!p2 $0x0  }
0x16: {  	s3 =	sld [smem:$0x3FDB];
	s0 =	simm.s32 @p2 $0x1  }
0x17: {  	s4 =	simm.s32 $0x1BF5;
	[smem:$0x3FBB] =	sst s0  }
0x18: {  	s0 =	sld [smem:$0x3F9E];
	_ =	swait.ge [sflag:s4], $0x0  }
0x19: {  	s7 =	sld [smem:$0x3F9F]  }
0x1a: {  	s8 =	sadd.s32 $0xFFFFE003, lr  }
0x1b: {  	s9 =	sadd.s32 $0xFFFFFEF7, lr;
	s5 =	simm.s32 $0xFFFFFFFF;
	p2 =	slt.u32 s8, $0xFFFFF086  }
0x1c: {  	p1 =	slt.u32 s9, $0xF7A;
	s5 =	simm.s32 @!p2 $0x0  }
0x1d: {  	s5 =	simm.s32 @p1 $0x1;
	p0 =	seq.s32 s7, s2  }
0x1e: {  	s7 =	smul.u32 @!p0 $0xF7A, s2;
	p2 =	seq.s32 @!p0 s5, $0x0  }
0x1f: {  	s9 =	smul.u32 $0xF7A, s1;
	s8 =	simm.s32 @!p0 $0x1BF5;
	p2 =	por !p2, p0  }
0x20: {  	[sflag:s8] =	ssyncset.s32 @!p0 $0xFFFFF086;
	s6 =	sadd.s32 @!p0 s3, s7;
	s7 =	simm.s32 @!p0 $0x108  }
0x21: {  	s3 =	sadd.s32 s3, s9;
	s6 =	sadd.s32 @!p0 $0x88, s6;
	s7 =	simm.s32 @p2 $0x1082  }
0x22: {  	[simem:s7], [sflag:s8] =	dma.local @!p0 [hbm:s6], $0xF7A  }
0x23: {  	s9 =	sor.u32 $0xD0000000, s2;
	s6 =	simm.s32 $0x108;
	_ =	swait.ge @!p0 [sflag:s8], $0x0  }
0x24: {  	s3 =	sadd.s32 $0x88, s3;
	s6 =	simm.s32 @!p1 $0x1082;
	[sflag:s4] =	ssyncset.s32 $0xFFFFF086  }
0x25: {  	[simem:s6], [sflag:s4] =	dma.local [hbm:s3], $0xF7A  }
0x26: {  	[smem:$0x3F9F] =	sst s1;
	(tag) =	ssettag s2;
	_ =	strace s9  }
0x27: {  	s1 =	sld [smem:$0x3FAF]  }
0x28: {  	s2 =	sld [smem:$0x3FB0]  }
0x29: {  	s4 =	sld [smem:$0x3FB2]  }
0x2a: {  	p0 =	seq.s32 s5, $0x0;
	s5 =	sld [smem:$0x3FB3]  }
0x2b: {  	s6 =	sld [smem:$0x3FB4]  }
0x2c: {  	s7 =	sld [smem:$0x3FB5]  }
0x2d: {  	s3 =	simm.s32 $0x108;
	s8 =	sld [smem:$0x3FB6]  }
0x2e: {  	s3 =	simm.s32 @!p0 $0x1082;
	s9 =	sld [smem:$0x3FB7]  }
0x2f: {  	lr =	sadd.s32 s0, s3;
	s0 =	sld [smem:$0x3FAE]  }
0x30: {  	s3 =	sld [smem:$0x3FB1]  }
0x31: {  	[smem:$0x3FBA] =	sst s10  }
0x32: {  	s10 =	sld [smem:$0x3FB8];
	_ =	sdelay $0x3  }
0x33: {  	p0 =	seq.s32 s10, $0x1;
	s10 =	sld [smem:$0x3FBA];
	_ =	sdelay $0x3  }
0x34: {  	[smem:$0x3FBA] =	sst s10  }
0x35: {  	s10 =	sld [smem:$0x3FB9];
	_ =	sdelay $0x3  }
0x36: {  	p1 =	seq.s32 s10, $0x1;
	s10 =	sld [smem:$0x3FBA];
	_ =	sdelay $0x3  }
0x37: {  	[smem:$0x3FBA] =	sst s10  }
0x38: {  	s10 =	sld [smem:$0x3FBB]  }
0x39: {  	_ = 	snop;
	(pc) =	sbr.ind lr, $3  }
0x3a: {  	_ = 	snop  }
0x3b: {  	_ = 	snop  }
0x3c: {  	p2 =	seq.s32 s10, $0x1;
	s10 =	sld [smem:$0x3FBA]  }
0x3d: {  	_ =	shalt  }
0x3e: {  	_ =	shalt  }
0x3f: {  	_ =	shalt  }
0x40: {  	_ =	shalt  }
0x41: {  	_ =	shalt  }
0x42: {  	_ =	shalt  }
0x43: {  	_ =	shalt  }
0x44: {  	_ =	shalt  }
0x45: {  	_ =	shalt  }
0x46: {  	_ =	shalt  }
0x47: {  	_ =	shalt  }
0x48: {  	_ =	shalt  }
0x49: {  	_ =	shalt  }
0x4a: {  	_ =	shalt  }
0x4b: {  	_ =	shalt  }
0x4c: {  	_ =	shalt  }
0x4d: {  	_ =	shalt  }
0x4e: {  	_ =	shalt  }
0x4f: {  	_ =	shalt  }
0x50: {  	_ =	shalt  }
0x51: {  	_ =	shalt  }
0x52: {  	_ =	shalt  }
0x53: {  	_ =	shalt  }
0x54: {  	_ =	shalt  }
0x55: {  	_ =	shalt  }
0x56: {  	_ =	shalt  }
0x57: {  	_ =	shalt  }
0x58: {  	_ =	shalt  }
0x59: {  	_ =	shalt  }
0x5a: {  	_ =	shalt  }
0x5b: {  	_ =	shalt  }
0x5c: {  	_ =	shalt  }
0x5d: {  	_ =	shalt  }
0x5e: {  	_ =	shalt  }
0x5f: {  	_ =	shalt  }
0x60: {  	_ =	shalt  }
0x61: {  	_ =	shalt  }
0x62: {  	_ =	shalt  }
0x63: {  	_ =	shalt  }
0x64: {  	_ =	shalt  }
0x65: {  	_ =	shalt  }
0x66: {  	_ =	shalt  }
0x67: {  	_ =	shalt  }
0x68: {  	_ =	shalt  }
0x69: {  	_ =	shalt  }
0x6a: {  	_ =	shalt  }
0x6b: {  	_ =	shalt  }
0x6c: {  	_ =	shalt  }
0x6d: {  	_ =	shalt  }
0x6e: {  	_ =	shalt  }
0x6f: {  	_ =	shalt  }
0x70: {  	_ =	shalt  }
0x71: {  	_ =	shalt  }
0x72: {  	_ =	shalt  }
0x73: {  	_ =	shalt  }
0x74: {  	_ =	shalt  }
0x75: {  	_ =	shalt  }
0x76: {  	_ =	shalt  }
0x77: {  	_ =	shalt  }
0x78: {  	_ =	shalt  }
0x79: {  	_ =	shalt  }
0x7a: {  	_ =	shalt  }
0x7b: {  	_ =	shalt  }
0x7c: {  	_ =	shalt  }
0x7d: {  	_ =	shalt  }
0x7e: {  	_ =	shalt  }
0x7f: {  	_ =	shalt  }
0x80: {  	_ =	shalt  }
0x81: {  	_ =	shalt  }
0x82: {  	_ =	shalt  }
0x83: {  	_ =	shalt  }
0x84: {  	_ =	shalt  }
0x85: {  	_ =	shalt  }
0x86: {  	_ =	shalt  }
0x87: {  	_ =	shalt  }
.Lfunc_end0:
.L_simem_size_0:
called_computation_lowered:
.L_overlay_start_0:
0x88: {  	s2 =	sld [smem:$0x3FD9]  }
0x89: {  	s3 =	sld [smem:$0x3FFE];
	_ =	sdelay $0x1  }
0x8a: {  	s1 =	srdreg.scid  }
0x8b: {  	s0 =	sand.u32 $0x1, s1  }
0x8c: {  	s18 =	sshll.u32 s0, $0xA;
	s2 =	sadd.s32 s3, s2  }
0x8d: {  	s2 =	sadd.s32 s2, s18  }
0x8e: {  	[smem:$0x3FC6] =	sst s2  }
0x8f: {  	_ = 	snop  }
0x90: {  	s2 =	sld [smem:$0x3FC9]  }
0x91: {  	s19 =	sld [smem:$0x3FC8]  }
0x92: {  	s4 =	sld [smem:$0x3FD0];
	(tm) =	ssettm $0x1  }
0x93: {  	s5 =	sld [smem:$0x3FFB];
	_ =	sdelay $0x3  }
0x94: {  	_ =	strace s5  }
0x95: {  	s5 =	sld [smem:$0x3FFC];
	_ =	sdelay $0x3  }
0x96: {  	_ =	strace s5  }
0x97: {  	s5 =	sld [smem:$0x3FFD];
	_ =	sdelay $0x3  }
0x98: {  	_ =	strace s5  }
0x99: {  	_ =	strace $0x8FFFFFFF  }
0x9a: {  	s20 =	sld [smem:$0x3FDB];
	_ =	sdelay $0x1  }
0x9b: {  	s6 =	simm.s32 $_scs_section_size  }
0x9c: {  	s7 =	simm.s32 $_size__tile_overlayer_lowered;
	s8 =	simm.s32 $_tile_overlayer_lowered  }
0x9d: {  	s23 =	simm.s32 $0x1BFF;
	s22 =	sshll.u32 s8, $0x1;
	s5 =	sadd.s32 s6, s20  }
0x9e: {  	s9 =	simm.s32 $0x0;
	s21 =	sshll.u32 s7, $0x1;
	s7 =	sadd.s32 s22, s5  }
0x9f: {  	[timem:s9], [sflag:s23] =	dma.local [hbm:s7], s21  }
0xa0: {  	_ =	swait.ge [sflag:s23], s21  }
0xa1: {  	s6 =	ssub.s32 $0x0, s21;
	[sflag:s23] =	ssyncset.done $0x0  }
0xa2: {  	[sflag:s23] =	ssyncadd.s32 s6;
	_ =	sdelay $0x1  }
0xa3: {  	s24 =	simm.s32 $0x1B8B  }
0xa4: {  	_ =	swait.ge [sflag:s24], $0x1  }
0xa5: {  	[sflag:s24] =	ssyncset.done $0x0  }
0xa6: {  	s25 =	simm.s32 $0x1B8E;
	[sflag:s24] =	ssyncadd.s32 $0xFFFFFFFF  }
0xa7: {  	s26 =	simm.s32 $execute0_lowered;
	[smem:$0x3FD2] =	sst s25  }
0xa8: {  	s6 =	sshll.u32 s26, $0x1;
	_ =	strace $0x80000046;
	[dreg:$0x1] =	wrdreg $0xFFFFFFFF  }
0xa9: {  	s28 =	simm.s32 $_size_execute0_lowered;
	s5 =	sadd.s32 s5, s6;
	[dreg:$0x0] =	wrdreg $0x0  }
0xaa: {  	s6 =	sshll.u32 s28, $0x1;
	[dreg:$0x2] =	wrdreg s5  }
0xab: {  	[dreg:$0x3] =	wrdreg s6  }
0xac: {  	[dreg:$0x4] =	wrdreg $0xC0  }
0xad: {  	_ =	task [dreg:s9], $0x5FFFF  }
0xae: {  	[dreg:$0x1] =	wrdreg $0xFFFFFFFF  }
0xaf: {  	[dreg:$0x0] =	wrdreg $0x60  }
0xb0: {  	[dreg:$0x2] =	wrdreg s2  }
0xb1: {  	[dreg:$0x3] =	wrdreg s19  }
0xb2: {  	[dreg:$0x4] =	wrdreg s4  }
0xb3: {  	[dreg:$0x5] =	wrdreg $0x20000  }
0xb4: {  	[dreg:$0x6] =	wrdreg $0x9  }
0xb5: {  	_ =	task.clear_ibuf [dreg:s9], $0x7FFFF;
	_ =	strace $0x90000046  }
0xb6: {  	s29 =	simm.s32 $0x9;
	_ =	strace $0x80000048  }
0xb7: {  	_ =	swait.ge [sflag:s29], $0x1  }
0xb8: {  	[sflag:s29] =	ssyncadd.s32 $0xFFFFFFFF  }
0xb9: {  	_ =	strace $0x90000048  }
0xba: {  	_ =	sfence  }
0xbb: {  	s30 =	sld [smem:$0x0];
	_ =	sdelay $0x2  }
0xbc: {  	s31 =	sshll.u32 s1, $0xD;
	s1 =	sshrl.u32 s1, $0x2  }
0xbd: {  	s3 =	sand.u32 $0x4000, s31;
	s1 =	sadd.s32 s1, s30  }
0xbe: {  	s0 =	sor.u32 s3, s0;
	s1 =	sshll.u32 s1, $0x11  }
0xbf: {  	s0 =	sor.u32 s1, s0  }
0xc0: {  	s0 =	sadd.s32 $0x8F2B, s0  }
0xc1: {  	[sflag:s0] =	ssyncadd.remote.s32 $0x1  }
0xc2: {  	_ =	sfence.sel $0xFFFF  }
0xc3: {  	[dreg:$0x0] =	wrdreg $0xFFFFFFFF;
	(pc) =	sbr.abs _section_cstart, $3  }
0xc4: {  	[dreg:$0x1] =	wrdreg $0xFFFFFFFF  }
0xc5: {  	_ =	task.clear_ibuf [dreg:s9], $0x2FFFF;
	_ =	strace $0x9FFFFFFF  }
0xc6: {  	(tm) =	ssettm $0x7FFFFFFF  }
0xc7: {  	_ =	shalt  }
tec
execute0_lowered:
.L_overlay_start_1:
0x0: {  	(tag) =	ssettag $0x1  }
0x1: {  	s0 =	rddreg [dreg:$0x0]  }
0x2: {  	s1 =	rddreg [dreg:$0x2]  }
0x3: {  	s2 =	rddreg [dreg:$0x3];
	s4 =	srdreg.scid;
	s3 =	simm.s32 $0x0  }
0x4: {  	s13 =	stileid.u32;
	s16 =	simm.s32 $0x6;
	s17 =	simm.s32 $0x80  }
0x5: {  	s18 =	simm.s32 $0x20B0;
	s19 =	simm.s32 $0x60B0;
	s21 =	simm.s32 $0xA0B0  }
0x6: {  	s22 =	simm.s32 $0x1;
	s24 =	simm.s32 $0xE0B0;
	s28 =	simm.s32 $0x3  }
0x7: {  	s30 =	simm.s32 $0x4;
	s20 =	simm.s32 $0x0;
	s12 =	sand.u32 $0x1, s4  }
0x8: {  	[smem:$0x7FF] =	sst s3;
	s25 =	sshll.u32 s13, $0xE;
	s29 =	sshll.u32 s13, $0x12  }
0x9: {  	p0 =	sne.s32 s13, $0x0;
	s5 =	sshll.u32 s12, $0xD;
	_ =	strace $0x80000047  }
0xa: {  	s6 =	ssub.s32 $0x2, s12;
	s31 =	sshll.u32 s12, $0x11;
	s15 =	sshrl.u32 @!p0 s2, $0x3  }
0xb: {  	s4 =	sor.u32 s5, s25;
	s26 =	sshrl.u32 s6, $0x1;
	s25 =	simm.s32 $0x2  }
0xc: {  	s7 =	sshrl.u32 s4, $0x3;
	s8 =	sshll.u32 s4, $0x4;
	s14 =	ssub.s32 s6, s26  }
0xd: {  	s4 =	sadd.s32 s0, s7;
	s5 =	sadd.s32 s1, s8;
	s0 =	sadd.s32 s29, s1  }
0xe: {  	s13 =	smax.u32 s14, $0x1;
	s1 =	simm.s32 $0x1F80;
	s6 =	sadd.s32 $0x800, s5  }
0xf: {  	s7 =	sadd.s32 $0x1000, s5;
	s8 =	sadd.s32 $0x1800, s5;
	s9 =	sadd.s32 $0x1E000, s5  }
0x10: {  	s10 =	sadd.s32 $0x1E800, s5;
	s11 =	sadd.s32 $0x1F000, s5;
	s0 =	sadd.s32 s31, s0  }
0x11: {  	s12 =	sadd.s32 $0x1F800, s5;
	s14 =	sadd.s32 $0x3800, s0;
	s0 =	simm.s32 $0x5  }
.LBB2_1:
0x12: {  	s23 =	simm.s32 @!p0 $0x1C06;
	s26 =	rddreg [dreg:$0x1]  }
0x13: {  	[spmem:s15], [sflag:s23] =	dma.local @!p0 [hbm:s26], $0x160  }
0x14: {  	s23 =	simm.s32 @!p0 $0x6  }
0x15: {  	_ =	swait.ge @!p0 [sflag:s23], $0x160  }
0x16: {  	[sflag:s23] =	ssyncset.done @!p0 $0x0  }
0x17: {  	[sflag:s23] =	ssyncadd.s32 @!p0 $0xFFFFFEA0  }
0x18: {  	[tilespmem:s3], [sflag:$0x6] =	stream.linear.gather [hbm4b:s4+s3], $0x2000, $0x38;
	[tilespmem:$0x120B0] =	vst v63  }
0x19: {  	_ =	swait.ge [sflag:s16], $0x2000  }
0x1a: {  	[sflag:s16] =	ssyncset.done $0x0  }
0x1b: {  	[sflag:s16] =	ssyncadd.s32 $0xFFFFE000  }
0x1c: {  	[bflag:$0x0] =	sbarrier.arrive $0xFFFF  }
0x1d: {  	[tilespmem:s18], [sflag:$0x1] =	stream.indirect.gather [spmem:s2], $0x80, s3, s17, $0xb8;
	[tilespmem:$0x120B0] =	vst v63  }
0x1e: {  	_ = 	snop  }
0x1f: {  	[tilespmem:s19], [sflag:$0x1] =	stream.indirect.gather [spmem:s2], $0x80, s17, s17, $0xb8;
	[tilespmem:$0x120B0] =	vst v63  }
0x20: {  	s31 =	simm.s32 $0x100  }
0x21: {  	[tilespmem:s21], [sflag:$0x1] =	stream.indirect.gather [spmem:s2], $0x80, s31, s17, $0xb8;
	[tilespmem:$0x120B0] =	vst v63  }
0x22: {  	_ =	swait.ge [sflag:s22], $0x4000  }
0x23: {  	[sflag:s22] =	ssyncset.done $0x0  }
0x24: {  	[sflag:s22] =	ssyncadd.s32 $0xFFFFC000  }
0x25: {  	[hbm4b:s5+s3] =	stream.linear.scatter [tilespmem:s18], [sflag:$0x2], $0x4000, $0x38;
	[tilespmem:$0x120B0] =	vst v63  }
0x26: {  	s26 =	simm.s32 $0x180  }
0x27: {  	[tilespmem:s24], [sflag:$0x1] =	stream.indirect.gather [spmem:s2], $0x80, s26, s17, $0xb8;
	[tilespmem:$0x120B0] =	vst v63  }
0x28: {  	_ =	swait.ge [sflag:s22], $0x4000  }
0x29: {  	[sflag:s22] =	ssyncset.done $0x0  }
0x2a: {  	[sflag:s22] =	ssyncadd.s32 $0xFFFFC000  }
0x2b: {  	[hbm4b:s6+s3] =	stream.linear.scatter [tilespmem:s19], [sflag:$0x3], $0x4000, $0x38;
	[tilespmem:$0x120B0] =	vst v63  }
0x2c: {  	_ =	swait.ge [sflag:s25], $0x4000  }
0x2d: {  	[sflag:s25] =	ssyncset.done $0x0  }
0x2e: {  	s31 =	simm.s32 $0x200;
	[sflag:s25] =	ssyncadd.s32 $0xFFFFC000  }
0x2f: {  	[tilespmem:s18], [sflag:$0x1] =	stream.indirect.gather [spmem:s2], $0x80, s31, s17, $0xb8;
	[tilespmem:$0x120B0] =	vst v63  }
0x30: {  	_ =	swait.ge [sflag:s22], $0x4000  }
0x31: {  	[sflag:s22] =	ssyncset.done $0x0  }
0x32: {  	[sflag:s22] =	ssyncadd.s32 $0xFFFFC000  }
0x33: {  	[hbm4b:s7+s3] =	stream.linear.scatter [tilespmem:s21], [sflag:$0x4], $0x4000, $0x38;
	[tilespmem:$0x120B0] =	vst v63  }
0x34: {  	_ =	swait.ge [sflag:s28], $0x4000  }
0x35: {  	[sflag:s28] =	ssyncset.done $0x0  }
0x36: {  	s26 =	simm.s32 $0x280;
	[sflag:s28] =	ssyncadd.s32 $0xFFFFC000  }
0x37: {  	[tilespmem:s19], [sflag:$0x1] =	stream.indirect.gather [spmem:s2], $0x80, s26, s17, $0xb8;
	[tilespmem:$0x120B0] =	vst v63  }
0x38: {  	_ =	swait.ge [sflag:s22], $0x4000  }
0x39: {  	[sflag:s22] =	ssyncset.done $0x0  }
0x3a: {  	[sflag:s22] =	ssyncadd.s32 $0xFFFFC000  }
0x3b: {  	[hbm4b:s8+s3] =	stream.linear.scatter [tilespmem:s24], [sflag:$0x5], $0x4000, $0x38;
	[tilespmem:$0x120B0] =	vst v63  }
0x3c: {  	_ =	swait.ge [sflag:s30], $0x4000  }
0x3d: {  	[sflag:s30] =	ssyncset.done $0x0  }
0x3e: {  	s31 =	simm.s32 $0x300;
	[sflag:s30] =	ssyncadd.s32 $0xFFFFC000  }
0x3f: {  	[tilespmem:s21], [sflag:$0x1] =	stream.indirect.gather [spmem:s2], $0x80, s31, s17, $0xb8;
	[tilespmem:$0x120B0] =	vst v63  }
0x40: {  	_ =	swait.ge [sflag:s22], $0x4000  }
0x41: {  	[sflag:s22] =	ssyncset.done $0x0  }
0x42: {  	s26 =	sadd.s32 $0xFFFFE800, s14;
	[sflag:s22] =	ssyncadd.s32 $0xFFFFC000  }
0x43: {  	[hbm4b:s26+s3] =	stream.linear.scatter [tilespmem:s18], [sflag:$0x2], $0x4000, $0x38;
	[tilespmem:$0x120B0] =	vst v63  }
0x44: {  	_ =	swait.ge [sflag:s0], $0x4000  }
0x45: {  	[sflag:s0] =	ssyncset.done $0x0  }
0x46: {  	s31 =	simm.s32 $0x380;
	[sflag:s0] =	ssyncadd.s32 $0xFFFFC000  }
0x47: {  	[tilespmem:s24], [sflag:$0x1] =	stream.indirect.gather [spmem:s2], $0x80, s31, s17, $0xb8;
	[tilespmem:$0x120B0] =	vst v63  }
0x48: {  	_ =	swait.ge [sflag:s22], $0x4000  }
0x49: {  	[sflag:s22] =	ssyncset.done $0x0  }
0x4a: {  	s26 =	sadd.s32 $0xFFFFF000, s14;
	[sflag:s22] =	ssyncadd.s32 $0xFFFFC000  }
0x4b: {  	[hbm4b:s26+s3] =	stream.linear.scatter [tilespmem:s19], [sflag:$0x3], $0x4000, $0x38;
	[tilespmem:$0x120B0] =	vst v63  }
0x4c: {  	_ =	swait.ge [sflag:s25], $0x4000  }
0x4d: {  	[sflag:s25] =	ssyncset.done $0x0  }
0x4e: {  	s31 =	simm.s32 $0x400;
	[sflag:s25] =	ssyncadd.s32 $0xFFFFC000  }
0x4f: {  	[tilespmem:s18], [sflag:$0x1] =	stream.indirect.gather [spmem:s2], $0x80, s31, s17, $0xb8;
	[tilespmem:$0x120B0] =	vst v63  }
0x50: {  	_ =	swait.ge [sflag:s22], $0x4000  }
0x51: {  	[sflag:s22] =	ssyncset.done $0x0  }
0x52: {  	s26 =	sadd.s32 $0xFFFFF800, s14;
	[sflag:s22] =	ssyncadd.s32 $0xFFFFC000  }
0x53: {  	[hbm4b:s26+s3] =	stream.linear.scatter [tilespmem:s21], [sflag:$0x4], $0x4000, $0x38;
	[tilespmem:$0x120B0] =	vst v63  }
0x54: {  	_ =	swait.ge [sflag:s28], $0x4000  }
0x55: {  	[sflag:s28] =	ssyncset.done $0x0  }
0x56: {  	s31 =	simm.s32 $0x480;
	[sflag:s28] =	ssyncadd.s32 $0xFFFFC000  }
0x57: {  	[tilespmem:s19], [sflag:$0x1] =	stream.indirect.gather [spmem:s2], $0x80, s31, s17, $0xb8;
	[tilespmem:$0x120B0] =	vst v63  }
0x58: {  	_ =	swait.ge [sflag:s22], $0x4000  }
0x59: {  	[sflag:s22] =	ssyncset.done $0x0  }
0x5a: {  	[sflag:s22] =	ssyncadd.s32 $0xFFFFC000  }
0x5b: {  	[hbm4b:s14+s3] =	stream.linear.scatter [tilespmem:s24], [sflag:$0x5], $0x4000, $0x38;
	[tilespmem:$0x120B0] =	vst v63  }
0x5c: {  	_ =	swait.ge [sflag:s30], $0x4000  }
0x5d: {  	s29 =	simm.s32 $0x500;
	[sflag:s30] =	ssyncset.done $0x0  }
0x5e: {  	s23 =	simm.s32 $0x800;
	s26 =	sadd.s32 $0x2000, s14;
	[sflag:s30] =	ssyncadd.s32 $0xFFFFC000  }
.LBB2_2:
0x5f: {  	[tilespmem:s21], [sflag:$0x1] =	stream.indirect.gather [spmem:s2], $0x80, s29, s17, $0xb8;
	[tilespmem:$0x120B0] =	vst v63  }
0x60: {  	s29 =	smov.u32 s23  }
0x61: {  	p1 =	sne.s32 s23, $0x6800;
	s23 =	sadd.s32 $0x800, s23;
	_ =	swait.ge [sflag:s22], $0x4000  }
0x62: {  	[sflag:s22] =	ssyncset.done $0x0  }
0x63: {  	s31 =	sadd.s32 $0xFFFFE800, s26;
	[sflag:s22] =	ssyncadd.s32 $0xFFFFC000  }
0x64: {  	[hbm4b:s31+s3] =	stream.linear.scatter [tilespmem:s18], [sflag:$0x2], $0x4000, $0x38;
	[tilespmem:$0x120B0] =	vst v63  }
0x65: {  	_ =	swait.ge [sflag:s0], $0x4000  }
0x66: {  	s29 =	sshra.s32 s29, $0x2;
	[sflag:s0] =	ssyncset.done $0x0  }
0x67: {  	s31 =	sadd.s32 $0x380, s29;
	[sflag:s0] =	ssyncadd.s32 $0xFFFFC000  }
0x68: {  	[tilespmem:s24], [sflag:$0x1] =	stream.indirect.gather [spmem:s2], $0x80, s31, s17, $0xb8;
	[tilespmem:$0x120B0] =	vst v63  }
0x69: {  	_ =	swait.ge [sflag:s22], $0x4000  }
0x6a: {  	[sflag:s22] =	ssyncset.done $0x0  }
0x6b: {  	s31 =	sadd.s32 $0xFFFFF000, s26;
	[sflag:s22] =	ssyncadd.s32 $0xFFFFC000  }
0x6c: {  	[hbm4b:s31+s3] =	stream.linear.scatter [tilespmem:s19], [sflag:$0x3], $0x4000, $0x38;
	[tilespmem:$0x120B0] =	vst v63  }
0x6d: {  	_ =	swait.ge [sflag:s25], $0x4000  }
0x6e: {  	[sflag:s25] =	ssyncset.done $0x0  }
0x6f: {  	s31 =	sadd.s32 $0x400, s29;
	[sflag:s25] =	ssyncadd.s32 $0xFFFFC000  }
0x70: {  	[tilespmem:s18], [sflag:$0x1] =	stream.indirect.gather [spmem:s2], $0x80, s31, s17, $0xb8;
	[tilespmem:$0x120B0] =	vst v63  }
0x71: {  	_ =	swait.ge [sflag:s22], $0x4000  }
0x72: {  	[sflag:s22] =	ssyncset.done $0x0  }
0x73: {  	s31 =	sadd.s32 $0xFFFFF800, s26;
	[sflag:s22] =	ssyncadd.s32 $0xFFFFC000  }
0x74: {  	[hbm4b:s31+s3] =	stream.linear.scatter [tilespmem:s21], [sflag:$0x4], $0x4000, $0x38;
	[tilespmem:$0x120B0] =	vst v63  }
0x75: {  	_ =	swait.ge [sflag:s28], $0x4000  }
0x76: {  	[sflag:s28] =	ssyncset.done $0x0  }
0x77: {  	s31 =	sadd.s32 $0x480, s29;
	[sflag:s28] =	ssyncadd.s32 $0xFFFFC000  }
0x78: {  	[tilespmem:s19], [sflag:$0x1] =	stream.indirect.gather [spmem:s2], $0x80, s31, s17, $0xb8;
	[tilespmem:$0x120B0] =	vst v63  }
0x79: {  	_ =	swait.ge [sflag:s22], $0x4000  }
0x7a: {  	[sflag:s22] =	ssyncset.done $0x0  }
.Ltmp0:
0x7b: {  	[sflag:s22] =	ssyncadd.s32 $0xFFFFC000;
	(pc) =	sbr.rel @p1 .LBB2_2-.Ltmp0, $4  }
0x7c: {  	[hbm4b:s26+s3] =	stream.linear.scatter [tilespmem:s24], [sflag:$0x5], $0x4000, $0x38;
	[tilespmem:$0x120B0] =	vst v63  }
0x7d: {  	_ =	swait.ge [sflag:s30], $0x4000  }
0x7e: {  	[sflag:s30] =	ssyncset.done $0x0  }
0x7f: {  	s29 =	sadd.s32 $0x500, s29;
	s26 =	sadd.s32 $0x2000, s26;
	[sflag:s30] =	ssyncadd.s32 $0xFFFFC000  }
0x80: {  	[tilespmem:s21], [sflag:$0x1] =	stream.indirect.gather [spmem:s2], $0x80, s29, s17, $0xb8;
	[tilespmem:$0x120B0] =	vst v63  }
0x81: {  	_ =	swait.ge [sflag:s22], $0x4000  }
0x82: {  	[sflag:s22] =	ssyncset.done $0x0  }
0x83: {  	[sflag:s22] =	ssyncadd.s32 $0xFFFFC000  }
0x84: {  	[hbm4b:s9+s3] =	stream.linear.scatter [tilespmem:s18], [sflag:$0x2], $0x4000, $0x38;
	[tilespmem:$0x120B0] =	vst v63  }
0x85: {  	_ =	swait.ge [sflag:s0], $0x4000  }
0x86: {  	[sflag:s0] =	ssyncset.done $0x0  }
0x87: {  	[sflag:s0] =	ssyncadd.s32 $0xFFFFC000  }
0x88: {  	[tilespmem:s24], [sflag:$0x1] =	stream.indirect.gather [spmem:s2], $0x80, s1, s17, $0xb8;
	[tilespmem:$0x120B0] =	vst v63  }
0x89: {  	_ =	swait.ge [sflag:s22], $0x4000  }
0x8a: {  	[sflag:s22] =	ssyncset.done $0x0  }
0x8b: {  	[sflag:s22] =	ssyncadd.s32 $0xFFFFC000  }
0x8c: {  	[hbm4b:s10+s3] =	stream.linear.scatter [tilespmem:s19], [sflag:$0x3], $0x4000, $0x38;
	[tilespmem:$0x120B0] =	vst v63  }
0x8d: {  	_ =	swait.ge [sflag:s25], $0x4000  }
0x8e: {  	[sflag:s25] =	ssyncset.done $0x0  }
0x8f: {  	[sflag:s25] =	ssyncadd.s32 $0xFFFFC000  }
0x90: {  	_ =	swait.ge [sflag:s22], $0x4000  }
0x91: {  	[sflag:s22] =	ssyncset.done $0x0  }
0x92: {  	[sflag:s22] =	ssyncadd.s32 $0xFFFFC000  }
0x93: {  	[hbm4b:s11+s3] =	stream.linear.scatter [tilespmem:s21], [sflag:$0x4], $0x4000, $0x38;
	[tilespmem:$0x120B0] =	vst v63  }
0x94: {  	_ =	swait.ge [sflag:s28], $0x4000  }
0x95: {  	[sflag:s28] =	ssyncset.done $0x0  }
0x96: {  	[sflag:s28] =	ssyncadd.s32 $0xFFFFC000  }
0x97: {  	_ =	swait.ge [sflag:s22], $0x4000  }
0x98: {  	[sflag:s22] =	ssyncset.done $0x0  }
0x99: {  	s20 =	sadd.s32 $0x1, s20;
	[sflag:s22] =	ssyncadd.s32 $0xFFFFC000  }
0x9a: {  	[hbm4b:s12+s3] =	stream.linear.scatter [tilespmem:s24], [sflag:$0x5], $0x4000, $0x38;
	[tilespmem:$0x120B0] =	vst v63  }
0x9b: {  	p1 =	sne.s32 s20, s13;
	_ =	swait.ge [sflag:s30], $0x4000  }
.Ltmp1:
0x9c: {  	[sflag:s30] =	ssyncset.done $0x0;
	(pc) =	sbr.rel @p1 .LBB2_1-.Ltmp1, $4  }
0x9d: {  	[sflag:s30] =	ssyncadd.s32 $0xFFFFC000  }
0x9e: {  	_ =	swait.ge [sflag:s0], $0x4000  }
0x9f: {  	[sflag:s0] =	ssyncset.done $0x0  }
0xa0: {  	[sflag:s0] =	ssyncadd.s32 $0xFFFFC000  }
0xa1: {  	_ =	sfence.sel $0x180000  }
0xa2: {  	[bflag:$0x0] =	sbarrier.arrive $0xFFFF  }
0xa3: {  	_ =	strace $0x90000047  }
0xa4: {  	[bflag:$0x2] =	sbarrier.arrive $0xFFFF  }
0xa5: {  	s0 =	rddreg [dreg:$0x4]  }
0xa6: {  	s0 =	sadd.s32 @!p0 $0x100000, s0  }
0xa7: {  	[sflag:s0] =	ssyncadd.tile.s32 @!p0 $0x1;
	_ =	shalt  }
.Lfunc_end2:
_tile_overlayer_lowered:
.L_overlay_start_2:
0xa8: {  	(tag) =	ssettag $0x2  }
0xa9: {  	s0 =	rddreg [dreg:$0x0];
	s2 =	stileid.u32  }
0xaa: {  	s1 =	rddreg [dreg:$0x1];
	p0 =	sne.s32 s2, $0x0  }
0xab: {  	s3 =	rddreg [dreg:$0x2];
	[bflag:$0x3] =	sbarrier.arrive $0xFFFF;
	s2 =	simm.s32 @!p0 $0x1C06  }
0xac: {  	[timem:s3], [sflag:s2] =	dma.local @!p0 [hbm:s0], s1  }
0xad: {  	s0 =	simm.s32 @!p0 $0x6  }
0xae: {  	_ =	swait.ge @!p0 [sflag:s0], s1  }
0xaf: {  	s1 =	ssub.s32 @!p0 $0x0, s1;
	[sflag:s0] =	ssyncset.done @!p0 $0x0  }
0xb0: {  	[sflag:s0] =	ssyncadd.s32 @!p0 s1  }
0xb1: {  	[bflag:$0x3] =	sbarrier.arrive $0xFFFF  }
0xb2: {  	_ =	shalt  }

</sc_bundles>
